<compile_context>
chip_gen: v7x
topology: tpu7x:2x2x1
jax: 0.10.2.dev20260603
libtpu: 0.0.44.dev20260713+nightly
codegen_flags: <defaults>
</compile_context>

<pallas_src>
import functools

import jax
import jax.numpy as jnp
from jax import lax
from jax.experimental import pallas as pl
from jax.experimental.pallas import tpu as pltpu
from jax.experimental.pallas import tpu_sc as plsc

N = 10000
E = 320000
D = 128
D_OUT = 128
B = 1024

NC = 2
NS = 16
CHUNK = 128
N_PAD = 10240
EPT = (E + NS * CHUNK - 1) // (NS * CHUNK) * CHUNK
E_PAD = EPT * NS
NCHUNK = EPT // CHUNK
B_PT = B // NS


SB = 8
NBLK = NCHUNK // SB


def _sc_agg_body(feat_hbm, src_hbm, dst_hbm, zero_hbm, ones_hbm,
                 acc_hbm, deg_hbm,
                 u_sh, src_v, dst_v, rows_v, sem):
    cid = lax.axis_index("c")
    sid = lax.axis_index("s")

    rpt = N_PAD // NS
    pltpu.sync_copy(zero_hbm.at[pl.ds(sid * rpt, rpt)],
                    u_sh.at[pl.ds(sid * rpt, rpt)])
    plsc.subcore_barrier()

    @pl.when(cid == 0)
    def _acc_core():
        def chunk_body(c, carry):
            pltpu.sync_copy(src_hbm.at[sid, c], src_v)
            pltpu.sync_copy(dst_hbm.at[sid, c], dst_v)
            pltpu.async_copy(feat_hbm.at[src_v], rows_v, sem).wait()
            pltpu.sync_copy(rows_v, u_sh.at[dst_v], add=True)
            return carry

        lax.fori_loop(0, NCHUNK, chunk_body, 0)

    @pl.when(cid == 1)
    def _deg_core():
        pltpu.sync_copy(ones_hbm, rows_v)

        def chunk_body(c, carry):
            pltpu.sync_copy(dst_hbm.at[sid, c], dst_v)
            pltpu.sync_copy(rows_v, u_sh.at[dst_v], add=True)
            return carry

        lax.fori_loop(0, NCHUNK, chunk_body, 0)

    plsc.subcore_barrier()

    @pl.when(cid == 0)
    def _acc_out():
        pltpu.sync_copy(u_sh.at[pl.ds(sid * rpt, rpt)],
                        acc_hbm.at[pl.ds(sid * rpt, rpt)])

    @pl.when(cid == 1)
    def _deg_out():
        pltpu.sync_copy(u_sh.at[pl.ds(sid * rpt, rpt)],
                        deg_hbm.at[pl.ds(sid * rpt, rpt)])


_sc_agg = functools.partial(
    pl.kernel,
    out_type=[
        jax.ShapeDtypeStruct((N_PAD, D), jnp.float32),
        jax.ShapeDtypeStruct((N_PAD, 128), jnp.float32),
    ],
    mesh=plsc.VectorSubcoreMesh(core_axis_name="c", subcore_axis_name="s"),
    scratch_types=[
        pltpu.VMEM_SHARED((N_PAD, D), jnp.float32),
        pltpu.VMEM((CHUNK,), jnp.int32),
        pltpu.VMEM((CHUNK,), jnp.int32),
        pltpu.VMEM((CHUNK, D), jnp.float32),
        pltpu.SemaphoreType.DMA,
    ],
)(_sc_agg_body)


def _sc_sel_body(acc_hbm, deg_hbm, idx_hbm, p_hbm, dg_hbm,
                 idxs_v, orow_v, sem):
    cid = lax.axis_index("c")
    sid = lax.axis_index("s")
    pltpu.sync_copy(idx_hbm.at[pl.ds(sid * B_PT, B_PT)], idxs_v)

    @pl.when(cid == 0)
    def _sel_acc():
        pltpu.async_copy(acc_hbm.at[idxs_v], orow_v, sem).wait()
        pltpu.sync_copy(orow_v, p_hbm.at[pl.ds(sid * B_PT, B_PT)])

    @pl.when(cid == 1)
    def _sel_deg():
        pltpu.async_copy(deg_hbm.at[idxs_v], orow_v, sem).wait()
        pltpu.sync_copy(orow_v, dg_hbm.at[pl.ds(sid * B_PT, B_PT)])


_sc_sel = functools.partial(
    pl.kernel,
    out_type=[
        jax.ShapeDtypeStruct((B, D), jnp.float32),
        jax.ShapeDtypeStruct((B, 128), jnp.float32),
    ],
    mesh=plsc.VectorSubcoreMesh(core_axis_name="c", subcore_axis_name="s"),
    scratch_types=[
        pltpu.VMEM((B_PT,), jnp.int32),
        pltpu.VMEM((B_PT, D), jnp.float32),
        pltpu.SemaphoreType.DMA,
    ],
)(_sc_sel_body)


def _tc_body(p_ref, dg_ref, w_ref, o_ref):
    d = dg_ref[:, 0]
    h = jnp.dot(p_ref[...], w_ref[...], preferred_element_type=jnp.float32)
    o_ref[...] = h / jnp.clip(d, 1.0)[:, None]


def kernel(feature, edge_index, W, idx):
    src = edge_index[0].astype(jnp.int32)
    dst = edge_index[1].astype(jnp.int32)
    pad = E_PAD - E
    src_p = jnp.concatenate([src, jnp.zeros((pad,), jnp.int32)])
    dst_p = jnp.concatenate([dst, jnp.full((pad,), N, jnp.int32)])
    src3 = src_p.reshape(NS, NCHUNK, CHUNK)
    dst3 = dst_p.reshape(NS, NCHUNK, CHUNK)
    zero = jnp.zeros((N_PAD, D), jnp.float32)
    ones = jnp.ones((CHUNK, 128), jnp.float32)

    acc, deg = _sc_agg(feature, src3, dst3, zero, ones)
    p, dg = _sc_sel(acc, deg, idx.astype(jnp.int32))

    return pl.pallas_call(
        _tc_body,
        out_shape=jax.ShapeDtypeStruct((B, D_OUT), jnp.float32),
    )(p, dg, W)

# --- scband reference (transcript-rebuilt; emitter-appended) ---
"""Pipeline reference for scband-mix-path-base-sgmodel-50113678409815 (READ-ONLY COPY).

The authoritative reference and input builder live on the scoring server;
editing this copy changes nothing except your own understanding.
"""

import jax, jax.numpy as jnp
import numpy as np

N = 10000
E = 320000
D = 128
D_OUT = 128
B = 1024

def setup_inputs(seed: int = 0) -> dict:
    key = jax.random.key(seed)
    k1, k2, k3, k4 = jax.random.split(key, 4)
    feature = jax.random.normal(k1, (N, D), dtype=jnp.float32)
    edge_index = jax.random.randint(k2, (2, E), 0, N)
    W = jax.random.normal(k3, (D, D_OUT), dtype=jnp.float32) * 0.05
    idx = jax.random.randint(k4, (B,), 0, N)
    return {"feature": feature, "edge_index": edge_index, "W": W, "idx": idx}

def reference(feature, edge_index, W, idx):
    # Faithful translation of MixPathBaseSGModel wrapper semantics:
    # preprocess gathers per-edge source/target features (feature[source_index],
    # feature[target_index]); the SGC-style base model aggregates normalized
    # source messages into target nodes via the csr adjacency (scatter-add),
    # applies the linear transform, and forward() selects output[idx]
    # (query_edges is None in the default path).
    src = edge_index[0]
    dst = edge_index[1]
    # per-edge gather of source features (processed_souce_feature)
    msg = jnp.take(feature, src, axis=0)
    # sparse adj @ X via scatter-add onto destination nodes
    agg = jax.ops.segment_sum(msg, dst, num_segments=N)
    # mean-degree normalization (row-normalized adjacency values)
    deg = jax.ops.segment_sum(jnp.ones((E,), dtype=jnp.float32), dst, num_segments=N)
    agg = agg / jnp.clip(deg, 1.0)[:, None]
    # base model linear transform
    h = agg @ W
    # output[idx]
    return jnp.take(h, idx, axis=0)

if __name__ == "__main__":
    import jax
    _d = setup_inputs()
    print(jax.jit(kernel)(*tuple(_d.values())))

</pallas_src>

<mosaic_0001>
#map = affine_map<(d0, d1) -> (0, 0)>
#map1 = affine_map<(d0, d1) -> (0, 0, 0)>
module attributes {stable_mosaic.version = 14 : i64} {
  func.func @_sc_agg_body(%arg0: i32, %arg1: i32, %arg2: memref<10000x128xf32, #tpu.memory_space<hbm>>, %arg3: memref<16x157x128xi32, #tpu.memory_space<hbm>>, %arg4: memref<16x157x128xi32, #tpu.memory_space<hbm>>, %arg5: memref<10240x128xf32, #tpu.memory_space<hbm>>, %arg6: memref<128x128xf32, #tpu.memory_space<hbm>>, %arg7: memref<10240x128xf32, #tpu.memory_space<hbm>>, %arg8: memref<10240x128xf32, #tpu.memory_space<hbm>>, %arg9: memref<10240x128xf32, #tpu.memory_space<vmem_shared>>, %arg10: memref<128xi32, #tpu.memory_space<vmem>>, %arg11: memref<128xi32, #tpu.memory_space<vmem>>, %arg12: memref<128x128xf32, #tpu.memory_space<vmem>>, %arg13: memref<!tpu.dma_semaphore, #tpu.memory_space<semaphore_mem>>) attributes {dimension_semantics = [#tpu.dimension_semantics<core_parallel>, #tpu.dimension_semantics<subcore_parallel>], iteration_bounds = array<i64: 2, 16>, scalar_prefetch = 0 : i64, scratch_operands = 5 : i64, tpu.core_type = #tpu.core_type<sc_vector_subcore>, window_params = [{transform_indices = #map}, {transform_indices = #map1}, {transform_indices = #map1}, {transform_indices = #map}, {transform_indices = #map}, {transform_indices = #map}, {transform_indices = #map}]} {
    %mul3A = arith.constant 640 : i32
    %mul3A_0 = arith.muli %arg1, %mul3A : i32
    %mul3A_1 = arith.constant 640 : i32
    %mul3A_2 = arith.muli %arg1, %mul3A_1 : i32
    "tpu.region"() ({
      %run_scoped3A = tpu.sem_alloc : memref<!tpu.dma_semaphore, #tpu.memory_space<semaphore_mem>>
      %dma_start3A = arith.constant 0 : i32
      %dma_start3A_21 = tpu.memref_slice %arg9[%mul3A_2, %dma_start3A] : memref<10240x128xf32, #tpu.memory_space<vmem_shared>> -> memref<640x128xf32, #tpu.memory_space<vmem_shared>>
      %dma_start3A_22 = arith.constant 0 : i32
      %dma_start3A_23 = tpu.memref_slice %arg5[%mul3A_0, %dma_start3A_22] : memref<10240x128xf32, #tpu.memory_space<hbm>> -> memref<640x128xf32, #tpu.memory_space<hbm>>
      tpu.enqueue_dma source(%dma_start3A_23 : memref<640x128xf32, #tpu.memory_space<hbm>>) target(%dma_start3A_21 : memref<640x128xf32, #tpu.memory_space<vmem_shared>>) target_semaphore(%run_scoped3A : memref<!tpu.dma_semaphore, #tpu.memory_space<semaphore_mem>>)
      %dma_wait3A = arith.constant 0 : i32
      %dma_wait3A_24 = tpu.memref_slice %arg9[%mul3A_2, %dma_wait3A] : memref<10240x128xf32, #tpu.memory_space<vmem_shared>> -> memref<640x128xf32, #tpu.memory_space<vmem_shared>>
      %dma_wait3A_25 = arith.constant 0 : i32
      %dma_wait3A_26 = tpu.memref_slice %arg5[%mul3A_0, %dma_wait3A_25] : memref<10240x128xf32, #tpu.memory_space<hbm>> -> memref<640x128xf32, #tpu.memory_space<hbm>>
      tpu.wait_dma2 semaphore(%run_scoped3A : memref<!tpu.dma_semaphore, #tpu.memory_space<semaphore_mem>>) src(%dma_wait3A_26 : memref<640x128xf32, #tpu.memory_space<hbm>>) dst(%dma_wait3A_24 : memref<640x128xf32, #tpu.memory_space<vmem_shared>>)
      tpu.yield
    }) : () -> ()
    %barrier3A = arith.constant 0 : index
    tpu.barrier barrier_id(%barrier3A)
    %eq3A = arith.constant 0 : i32
    %eq3A_3 = arith.cmpi eq, %arg0, %eq3A : i32
    %convert_element_type3A = arith.extui %eq3A_3 : i1 to i32
    %cond3A = arith.constant 0 : i32
    %cond3A_4 = arith.cmpi ne, %convert_element_type3A, %cond3A : i32
    scf.if %cond3A_4 {
      %scan3A = arith.constant 0 : i32
      %scan3A_21 = arith.constant 0 : i32
      %scan3A_22 = arith.constant 157 : i32
      %scan3A_23 = arith.addi %scan3A_21, %scan3A_22 : i32
      %scan3A_24 = arith.constant 1 : i32
      scf.for %scan3A_26 = %scan3A_21 to %scan3A_23 step %scan3A_24  : i32 {
        "tpu.region"() ({
          %run_scoped3A = tpu.sem_alloc : memref<!tpu.dma_semaphore, #tpu.memory_space<semaphore_mem>>
          %dma_start3A_31 = arith.constant 0 : i32
          %dma_start3A_32 = tpu.memref_slice %arg3[%arg1, %scan3A_26, %dma_start3A_31] : memref<16x157x128xi32, #tpu.memory_space<hbm>> -> memref<1x1x128xi32, #tpu.memory_space<hbm>>
          %dma_start3A_33 = tpu.memref_squeeze %dma_start3A_32 : memref<1x1x128xi32, #tpu.memory_space<hbm>> -> memref<128xi32, #tpu.memory_space<hbm>>
          %dma_start3A_34 = arith.constant 0 : i32
          %dma_start3A_35 = tpu.memref_slice %arg3[%arg1, %scan3A_26, %dma_start3A_34] : memref<16x157x128xi32, #tpu.memory_space<hbm>> -> memref<1x1x128xi32, #tpu.memory_space<hbm>>
          %dma_start3A_36 = tpu.memref_squeeze %dma_start3A_35 : memref<1x1x128xi32, #tpu.memory_space<hbm>> -> memref<128xi32, #tpu.memory_space<hbm>>
          tpu.enqueue_dma source(%dma_start3A_36 : memref<128xi32, #tpu.memory_space<hbm>>) target(%arg10 : memref<128xi32, #tpu.memory_space<vmem>>) target_semaphore(%run_scoped3A : memref<!tpu.dma_semaphore, #tpu.memory_space<semaphore_mem>>)
          %dma_wait3A_37 = arith.constant 0 : i32
          %dma_wait3A_38 = tpu.memref_slice %arg3[%arg1, %scan3A_26, %dma_wait3A_37] : memref<16x157x128xi32, #tpu.memory_space<hbm>> -> memref<1x1x128xi32, #tpu.memory_space<hbm>>
          %dma_wait3A_39 = tpu.memref_squeeze %dma_wait3A_38 : memref<1x1x128xi32, #tpu.memory_space<hbm>> -> memref<128xi32, #tpu.memory_space<hbm>>
          %dma_wait3A_40 = arith.constant 0 : i32
          %dma_wait3A_41 = tpu.memref_slice %arg3[%arg1, %scan3A_26, %dma_wait3A_40] : memref<16x157x128xi32, #tpu.memory_space<hbm>> -> memref<1x1x128xi32, #tpu.memory_space<hbm>>
          %dma_wait3A_42 = tpu.memref_squeeze %dma_wait3A_41 : memref<1x1x128xi32, #tpu.memory_space<hbm>> -> memref<128xi32, #tpu.memory_space<hbm>>
          tpu.wait_dma2 semaphore(%run_scoped3A : memref<!tpu.dma_semaphore, #tpu.memory_space<semaphore_mem>>) src(%dma_wait3A_42 : memref<128xi32, #tpu.memory_space<hbm>>) dst(%arg10 : memref<128xi32, #tpu.memory_space<vmem>>)
          tpu.yield
        }) : () -> ()
        "tpu.region"() ({
          %run_scoped3A = tpu.sem_alloc : memref<!tpu.dma_semaphore, #tpu.memory_space<semaphore_mem>>
          %dma_start3A_31 = arith.constant 0 : i32
          %dma_start3A_32 = tpu.memref_slice %arg4[%arg1, %scan3A_26, %dma_start3A_31] : memref<16x157x128xi32, #tpu.memory_space<hbm>> -> memref<1x1x128xi32, #tpu.memory_space<hbm>>
          %dma_start3A_33 = tpu.memref_squeeze %dma_start3A_32 : memref<1x1x128xi32, #tpu.memory_space<hbm>> -> memref<128xi32, #tpu.memory_space<hbm>>
          %dma_start3A_34 = arith.constant 0 : i32
          %dma_start3A_35 = tpu.memref_slice %arg4[%arg1, %scan3A_26, %dma_start3A_34] : memref<16x157x128xi32, #tpu.memory_space<hbm>> -> memref<1x1x128xi32, #tpu.memory_space<hbm>>
          %dma_start3A_36 = tpu.memref_squeeze %dma_start3A_35 : memref<1x1x128xi32, #tpu.memory_space<hbm>> -> memref<128xi32, #tpu.memory_space<hbm>>
          tpu.enqueue_dma source(%dma_start3A_36 : memref<128xi32, #tpu.memory_space<hbm>>) target(%arg11 : memref<128xi32, #tpu.memory_space<vmem>>) target_semaphore(%run_scoped3A : memref<!tpu.dma_semaphore, #tpu.memory_space<semaphore_mem>>)
          %dma_wait3A_37 = arith.constant 0 : i32
          %dma_wait3A_38 = tpu.memref_slice %arg4[%arg1, %scan3A_26, %dma_wait3A_37] : memref<16x157x128xi32, #tpu.memory_space<hbm>> -> memref<1x1x128xi32, #tpu.memory_space<hbm>>
          %dma_wait3A_39 = tpu.memref_squeeze %dma_wait3A_38 : memref<1x1x128xi32, #tpu.memory_space<hbm>> -> memref<128xi32, #tpu.memory_space<hbm>>
          %dma_wait3A_40 = arith.constant 0 : i32
          %dma_wait3A_41 = tpu.memref_slice %arg4[%arg1, %scan3A_26, %dma_wait3A_40] : memref<16x157x128xi32, #tpu.memory_space<hbm>> -> memref<1x1x128xi32, #tpu.memory_space<hbm>>
          %dma_wait3A_42 = tpu.memref_squeeze %dma_wait3A_41 : memref<1x1x128xi32, #tpu.memory_space<hbm>> -> memref<128xi32, #tpu.memory_space<hbm>>
          tpu.wait_dma2 semaphore(%run_scoped3A : memref<!tpu.dma_semaphore, #tpu.memory_space<semaphore_mem>>) src(%dma_wait3A_42 : memref<128xi32, #tpu.memory_space<hbm>>) dst(%arg11 : memref<128xi32, #tpu.memory_space<vmem>>)
          tpu.yield
        }) : () -> ()
        %dma_start3A = arith.constant 0 : i32
        %dma_start3A_27 = arith.constant 0 : i32
        %dma_start3A_28 = tpu.memref_slice %arg2[%dma_start3A, %dma_start3A_27] : memref<10000x128xf32, #tpu.memory_space<hbm>> -> memref<10000x128xf32, #tpu.memory_space<hbm>>
        tpu.enqueue_indirect_dma source(%dma_start3A_28 : memref<10000x128xf32, #tpu.memory_space<hbm>>) target(%arg12 : memref<128x128xf32, #tpu.memory_space<vmem>>) offsets(%arg10 : memref<128xi32, #tpu.memory_space<vmem>>) semaphore(%arg13 : memref<!tpu.dma_semaphore, #tpu.memory_space<semaphore_mem>>)
        %dma_wait3A = arith.constant 0 : i32
        %dma_wait3A_29 = arith.constant 0 : i32
        %dma_wait3A_30 = tpu.memref_slice %arg2[%dma_wait3A, %dma_wait3A_29] : memref<10000x128xf32, #tpu.memory_space<hbm>> -> memref<10000x128xf32, #tpu.memory_space<hbm>>
        tpu.wait_indirect_dma semaphore(%arg13 : memref<!tpu.dma_semaphore, #tpu.memory_space<semaphore_mem>>) src(%dma_wait3A_30 : memref<10000x128xf32, #tpu.memory_space<hbm>>) dst(%arg12 : memref<128x128xf32, #tpu.memory_space<vmem>>)
        "tpu.region"() ({
          %run_scoped3A = tpu.sem_alloc : memref<!tpu.dma_semaphore, #tpu.memory_space<semaphore_mem>>
          %dma_start3A_31 = arith.constant 0 : i32
          %dma_start3A_32 = arith.constant 0 : i32
          %dma_start3A_33 = tpu.memref_slice %arg9[%dma_start3A_31, %dma_start3A_32] : memref<10240x128xf32, #tpu.memory_space<vmem_shared>> -> memref<10240x128xf32, #tpu.memory_space<vmem_shared>>
          tpu.enqueue_indirect_dma source(%arg12 : memref<128x128xf32, #tpu.memory_space<vmem>>) target(%dma_start3A_33 : memref<10240x128xf32, #tpu.memory_space<vmem_shared>>) offsets(%arg11 : memref<128xi32, #tpu.memory_space<vmem>>) semaphore(%run_scoped3A : memref<!tpu.dma_semaphore, #tpu.memory_space<semaphore_mem>>) {add = true}
          %dma_wait3A_34 = arith.constant 0 : i32
          %dma_wait3A_35 = arith.constant 0 : i32
          %dma_wait3A_36 = tpu.memref_slice %arg9[%dma_wait3A_34, %dma_wait3A_35] : memref<10240x128xf32, #tpu.memory_space<vmem_shared>> -> memref<10240x128xf32, #tpu.memory_space<vmem_shared>>
          tpu.wait_indirect_dma semaphore(%run_scoped3A : memref<!tpu.dma_semaphore, #tpu.memory_space<semaphore_mem>>) src(%arg12 : memref<128x128xf32, #tpu.memory_space<vmem>>) dst(%dma_wait3A_36 : memref<10240x128xf32, #tpu.memory_space<vmem_shared>>)
          tpu.yield
        }) : () -> ()
      }
      %scan3A_25 = arith.constant 157 : i32
    } else {
    }
    %eq3A_5 = arith.constant 1 : i32
    %eq3A_6 = arith.cmpi eq, %arg0, %eq3A_5 : i32
    %convert_element_type3A_7 = arith.extui %eq3A_6 : i1 to i32
    %cond3A_8 = arith.constant 0 : i32
    %cond3A_9 = arith.cmpi ne, %convert_element_type3A_7, %cond3A_8 : i32
    scf.if %cond3A_9 {
      "tpu.region"() ({
        %run_scoped3A = tpu.sem_alloc : memref<!tpu.dma_semaphore, #tpu.memory_space<semaphore_mem>>
        tpu.enqueue_dma source(%arg6 : memref<128x128xf32, #tpu.memory_space<hbm>>) target(%arg12 : memref<128x128xf32, #tpu.memory_space<vmem>>) target_semaphore(%run_scoped3A : memref<!tpu.dma_semaphore, #tpu.memory_space<semaphore_mem>>)
        tpu.wait_dma2 semaphore(%run_scoped3A : memref<!tpu.dma_semaphore, #tpu.memory_space<semaphore_mem>>) src(%arg6 : memref<128x128xf32, #tpu.memory_space<hbm>>) dst(%arg12 : memref<128x128xf32, #tpu.memory_space<vmem>>)
        tpu.yield
      }) : () -> ()
      %scan3A = arith.constant 0 : i32
      %scan3A_21 = arith.constant 0 : i32
      %scan3A_22 = arith.constant 157 : i32
      %scan3A_23 = arith.addi %scan3A_21, %scan3A_22 : i32
      %scan3A_24 = arith.constant 1 : i32
      scf.for %scan3A_26 = %scan3A_21 to %scan3A_23 step %scan3A_24  : i32 {
        "tpu.region"() ({
          %run_scoped3A = tpu.sem_alloc : memref<!tpu.dma_semaphore, #tpu.memory_space<semaphore_mem>>
          %dma_start3A = arith.constant 0 : i32
          %dma_start3A_27 = tpu.memref_slice %arg4[%arg1, %scan3A_26, %dma_start3A] : memref<16x157x128xi32, #tpu.memory_space<hbm>> -> memref<1x1x128xi32, #tpu.memory_space<hbm>>
          %dma_start3A_28 = tpu.memref_squeeze %dma_start3A_27 : memref<1x1x128xi32, #tpu.memory_space<hbm>> -> memref<128xi32, #tpu.memory_space<hbm>>
          %dma_start3A_29 = arith.constant 0 : i32
          %dma_start3A_30 = tpu.memref_slice %arg4[%arg1, %scan3A_26, %dma_start3A_29] : memref<16x157x128xi32, #tpu.memory_space<hbm>> -> memref<1x1x128xi32, #tpu.memory_space<hbm>>
          %dma_start3A_31 = tpu.memref_squeeze %dma_start3A_30 : memref<1x1x128xi32, #tpu.memory_space<hbm>> -> memref<128xi32, #tpu.memory_space<hbm>>
          tpu.enqueue_dma source(%dma_start3A_31 : memref<128xi32, #tpu.memory_space<hbm>>) target(%arg11 : memref<128xi32, #tpu.memory_space<vmem>>) target_semaphore(%run_scoped3A : memref<!tpu.dma_semaphore, #tpu.memory_space<semaphore_mem>>)
          %dma_wait3A = arith.constant 0 : i32
          %dma_wait3A_32 = tpu.memref_slice %arg4[%arg1, %scan3A_26, %dma_wait3A] : memref<16x157x128xi32, #tpu.memory_space<hbm>> -> memref<1x1x128xi32, #tpu.memory_space<hbm>>
          %dma_wait3A_33 = tpu.memref_squeeze %dma_wait3A_32 : memref<1x1x128xi32, #tpu.memory_space<hbm>> -> memref<128xi32, #tpu.memory_space<hbm>>
          %dma_wait3A_34 = arith.constant 0 : i32
          %dma_wait3A_35 = tpu.memref_slice %arg4[%arg1, %scan3A_26, %dma_wait3A_34] : memref<16x157x128xi32, #tpu.memory_space<hbm>> -> memref<1x1x128xi32, #tpu.memory_space<hbm>>
          %dma_wait3A_36 = tpu.memref_squeeze %dma_wait3A_35 : memref<1x1x128xi32, #tpu.memory_space<hbm>> -> memref<128xi32, #tpu.memory_space<hbm>>
          tpu.wait_dma2 semaphore(%run_scoped3A : memref<!tpu.dma_semaphore, #tpu.memory_space<semaphore_mem>>) src(%dma_wait3A_36 : memref<128xi32, #tpu.memory_space<hbm>>) dst(%arg11 : memref<128xi32, #tpu.memory_space<vmem>>)
          tpu.yield
        }) : () -> ()
        "tpu.region"() ({
          %run_scoped3A = tpu.sem_alloc : memref<!tpu.dma_semaphore, #tpu.memory_space<semaphore_mem>>
          %dma_start3A = arith.constant 0 : i32
          %dma_start3A_27 = arith.constant 0 : i32
          %dma_start3A_28 = tpu.memref_slice %arg9[%dma_start3A, %dma_start3A_27] : memref<10240x128xf32, #tpu.memory_space<vmem_shared>> -> memref<10240x128xf32, #tpu.memory_space<vmem_shared>>
          tpu.enqueue_indirect_dma source(%arg12 : memref<128x128xf32, #tpu.memory_space<vmem>>) target(%dma_start3A_28 : memref<10240x128xf32, #tpu.memory_space<vmem_shared>>) offsets(%arg11 : memref<128xi32, #tpu.memory_space<vmem>>) semaphore(%run_scoped3A : memref<!tpu.dma_semaphore, #tpu.memory_space<semaphore_mem>>) {add = true}
          %dma_wait3A = arith.constant 0 : i32
          %dma_wait3A_29 = arith.constant 0 : i32
          %dma_wait3A_30 = tpu.memref_slice %arg9[%dma_wait3A, %dma_wait3A_29] : memref<10240x128xf32, #tpu.memory_space<vmem_shared>> -> memref<10240x128xf32, #tpu.memory_space<vmem_shared>>
          tpu.wait_indirect_dma semaphore(%run_scoped3A : memref<!tpu.dma_semaphore, #tpu.memory_space<semaphore_mem>>) src(%arg12 : memref<128x128xf32, #tpu.memory_space<vmem>>) dst(%dma_wait3A_30 : memref<10240x128xf32, #tpu.memory_space<vmem_shared>>)
          tpu.yield
        }) : () -> ()
      }
      %scan3A_25 = arith.constant 157 : i32
    } else {
    }
    %barrier3A_10 = arith.constant 0 : index
    tpu.barrier barrier_id(%barrier3A_10)
    %eq3A_11 = arith.constant 0 : i32
    %eq3A_12 = arith.cmpi eq, %arg0, %eq3A_11 : i32
    %convert_element_type3A_13 = arith.extui %eq3A_12 : i1 to i32
    %cond3A_14 = arith.constant 0 : i32
    %cond3A_15 = arith.cmpi ne, %convert_element_type3A_13, %cond3A_14 : i32
    scf.if %cond3A_15 {
      %mul3A_21 = arith.constant 640 : i32
      %mul3A_22 = arith.muli %arg1, %mul3A_21 : i32
      %mul3A_23 = arith.constant 640 : i32
      %mul3A_24 = arith.muli %arg1, %mul3A_23 : i32
      "tpu.region"() ({
        %run_scoped3A = tpu.sem_alloc : memref<!tpu.dma_semaphore, #tpu.memory_space<semaphore_mem>>
        %dma_start3A = arith.constant 0 : i32
        %dma_start3A_25 = tpu.memref_slice %arg7[%mul3A_24, %dma_start3A] : memref<10240x128xf32, #tpu.memory_space<hbm>> -> memref<640x128xf32, #tpu.memory_space<hbm>>
        %dma_start3A_26 = arith.constant 0 : i32
        %dma_start3A_27 = tpu.memref_slice %arg9[%mul3A_22, %dma_start3A_26] : memref<10240x128xf32, #tpu.memory_space<vmem_shared>> -> memref<640x128xf32, #tpu.memory_space<vmem_shared>>
        tpu.enqueue_dma source(%dma_start3A_27 : memref<640x128xf32, #tpu.memory_space<vmem_shared>>) target(%dma_start3A_25 : memref<640x128xf32, #tpu.memory_space<hbm>>) target_semaphore(%run_scoped3A : memref<!tpu.dma_semaphore, #tpu.memory_space<semaphore_mem>>)
        %dma_wait3A = arith.constant 0 : i32
        %dma_wait3A_28 = tpu.memref_slice %arg7[%mul3A_24, %dma_wait3A] : memref<10240x128xf32, #tpu.memory_space<hbm>> -> memref<640x128xf32, #tpu.memory_space<hbm>>
        %dma_wait3A_29 = arith.constant 0 : i32
        %dma_wait3A_30 = tpu.memref_slice %arg9[%mul3A_22, %dma_wait3A_29] : memref<10240x128xf32, #tpu.memory_space<vmem_shared>> -> memref<640x128xf32, #tpu.memory_space<vmem_shared>>
        tpu.wait_dma2 semaphore(%run_scoped3A : memref<!tpu.dma_semaphore, #tpu.memory_space<semaphore_mem>>) src(%dma_wait3A_30 : memref<640x128xf32, #tpu.memory_space<vmem_shared>>) dst(%dma_wait3A_28 : memref<640x128xf32, #tpu.memory_space<hbm>>)
        tpu.yield
      }) : () -> ()
    } else {
    }
    %eq3A_16 = arith.constant 1 : i32
    %eq3A_17 = arith.cmpi eq, %arg0, %eq3A_16 : i32
    %convert_element_type3A_18 = arith.extui %eq3A_17 : i1 to i32
    %cond3A_19 = arith.constant 0 : i32
    %cond3A_20 = arith.cmpi ne, %convert_element_type3A_18, %cond3A_19 : i32
    scf.if %cond3A_20 {
      %mul3A_21 = arith.constant 640 : i32
      %mul3A_22 = arith.muli %arg1, %mul3A_21 : i32
      %mul3A_23 = arith.constant 640 : i32
      %mul3A_24 = arith.muli %arg1, %mul3A_23 : i32
      "tpu.region"() ({
        %run_scoped3A = tpu.sem_alloc : memref<!tpu.dma_semaphore, #tpu.memory_space<semaphore_mem>>
        %dma_start3A = arith.constant 0 : i32
        %dma_start3A_25 = tpu.memref_slice %arg8[%mul3A_24, %dma_start3A] : memref<10240x128xf32, #tpu.memory_space<hbm>> -> memref<640x128xf32, #tpu.memory_space<hbm>>
        %dma_start3A_26 = arith.constant 0 : i32
        %dma_start3A_27 = tpu.memref_slice %arg9[%mul3A_22, %dma_start3A_26] : memref<10240x128xf32, #tpu.memory_space<vmem_shared>> -> memref<640x128xf32, #tpu.memory_space<vmem_shared>>
        tpu.enqueue_dma source(%dma_start3A_27 : memref<640x128xf32, #tpu.memory_space<vmem_shared>>) target(%dma_start3A_25 : memref<640x128xf32, #tpu.memory_space<hbm>>) target_semaphore(%run_scoped3A : memref<!tpu.dma_semaphore, #tpu.memory_space<semaphore_mem>>)
        %dma_wait3A = arith.constant 0 : i32
        %dma_wait3A_28 = tpu.memref_slice %arg8[%mul3A_24, %dma_wait3A] : memref<10240x128xf32, #tpu.memory_space<hbm>> -> memref<640x128xf32, #tpu.memory_space<hbm>>
        %dma_wait3A_29 = arith.constant 0 : i32
        %dma_wait3A_30 = tpu.memref_slice %arg9[%mul3A_22, %dma_wait3A_29] : memref<10240x128xf32, #tpu.memory_space<vmem_shared>> -> memref<640x128xf32, #tpu.memory_space<vmem_shared>>
        tpu.wait_dma2 semaphore(%run_scoped3A : memref<!tpu.dma_semaphore, #tpu.memory_space<semaphore_mem>>) src(%dma_wait3A_30 : memref<640x128xf32, #tpu.memory_space<vmem_shared>>) dst(%dma_wait3A_28 : memref<640x128xf32, #tpu.memory_space<hbm>>)
        tpu.yield
      }) : () -> ()
    } else {
    }
    return
  }
}

#map = affine_map<(d0, d1) -> (0, 0)>
#map1 = affine_map<(d0, d1) -> (0)>
module attributes {stable_mosaic.version = 14 : i64} {
  func.func @_sc_sel_body(%arg0: i32, %arg1: i32, %arg2: memref<10240x128xf32, #tpu.memory_space<hbm>>, %arg3: memref<10240x128xf32, #tpu.memory_space<hbm>>, %arg4: memref<1024xi32, #tpu.memory_space<hbm>>, %arg5: memref<1024x128xf32, #tpu.memory_space<hbm>>, %arg6: memref<1024x128xf32, #tpu.memory_space<hbm>>, %arg7: memref<64xi32, #tpu.memory_space<vmem>>, %arg8: memref<64x128xf32, #tpu.memory_space<vmem>>, %arg9: memref<!tpu.dma_semaphore, #tpu.memory_space<semaphore_mem>>) attributes {dimension_semantics = [#tpu.dimension_semantics<core_parallel>, #tpu.dimension_semantics<subcore_parallel>], iteration_bounds = array<i64: 2, 16>, scalar_prefetch = 0 : i64, scratch_operands = 3 : i64, tpu.core_type = #tpu.core_type<sc_vector_subcore>, window_params = [{transform_indices = #map}, {transform_indices = #map}, {transform_indices = #map1}, {transform_indices = #map}, {transform_indices = #map}]} {
    %mul3A = arith.constant 64 : i32
    %mul3A_0 = arith.muli %arg1, %mul3A : i32
    "tpu.region"() ({
      %run_scoped3A = tpu.sem_alloc : memref<!tpu.dma_semaphore, #tpu.memory_space<semaphore_mem>>
      %dma_start3A = tpu.memref_slice %arg4[%mul3A_0] : memref<1024xi32, #tpu.memory_space<hbm>> -> memref<64xi32, #tpu.memory_space<hbm>>
      %dma_start3A_8 = tpu.memref_slice %arg4[%mul3A_0] : memref<1024xi32, #tpu.memory_space<hbm>> -> memref<64xi32, #tpu.memory_space<hbm>>
      tpu.enqueue_dma source(%dma_start3A_8 : memref<64xi32, #tpu.memory_space<hbm>>) target(%arg7 : memref<64xi32, #tpu.memory_space<vmem>>) target_semaphore(%run_scoped3A : memref<!tpu.dma_semaphore, #tpu.memory_space<semaphore_mem>>)
      %dma_wait3A = tpu.memref_slice %arg4[%mul3A_0] : memref<1024xi32, #tpu.memory_space<hbm>> -> memref<64xi32, #tpu.memory_space<hbm>>
      %dma_wait3A_9 = tpu.memref_slice %arg4[%mul3A_0] : memref<1024xi32, #tpu.memory_space<hbm>> -> memref<64xi32, #tpu.memory_space<hbm>>
      tpu.wait_dma2 semaphore(%run_scoped3A : memref<!tpu.dma_semaphore, #tpu.memory_space<semaphore_mem>>) src(%dma_wait3A_9 : memref<64xi32, #tpu.memory_space<hbm>>) dst(%arg7 : memref<64xi32, #tpu.memory_space<vmem>>)
      tpu.yield
    }) : () -> ()
    %eq3A = arith.constant 0 : i32
    %eq3A_1 = arith.cmpi eq, %arg0, %eq3A : i32
    %convert_element_type3A = arith.extui %eq3A_1 : i1 to i32
    %cond3A = arith.constant 0 : i32
    %cond3A_2 = arith.cmpi ne, %convert_element_type3A, %cond3A : i32
    scf.if %cond3A_2 {
      %dma_start3A = arith.constant 0 : i32
      %dma_start3A_8 = arith.constant 0 : i32
      %dma_start3A_9 = tpu.memref_slice %arg2[%dma_start3A, %dma_start3A_8] : memref<10240x128xf32, #tpu.memory_space<hbm>> -> memref<10240x128xf32, #tpu.memory_space<hbm>>
      tpu.enqueue_indirect_dma source(%dma_start3A_9 : memref<10240x128xf32, #tpu.memory_space<hbm>>) target(%arg8 : memref<64x128xf32, #tpu.memory_space<vmem>>) offsets(%arg7 : memref<64xi32, #tpu.memory_space<vmem>>) semaphore(%arg9 : memref<!tpu.dma_semaphore, #tpu.memory_space<semaphore_mem>>)
      %dma_wait3A = arith.constant 0 : i32
      %dma_wait3A_10 = arith.constant 0 : i32
      %dma_wait3A_11 = tpu.memref_slice %arg2[%dma_wait3A, %dma_wait3A_10] : memref<10240x128xf32, #tpu.memory_space<hbm>> -> memref<10240x128xf32, #tpu.memory_space<hbm>>
      tpu.wait_indirect_dma semaphore(%arg9 : memref<!tpu.dma_semaphore, #tpu.memory_space<semaphore_mem>>) src(%dma_wait3A_11 : memref<10240x128xf32, #tpu.memory_space<hbm>>) dst(%arg8 : memref<64x128xf32, #tpu.memory_space<vmem>>)
      %mul3A_12 = arith.constant 64 : i32
      %mul3A_13 = arith.muli %arg1, %mul3A_12 : i32
      "tpu.region"() ({
        %run_scoped3A = tpu.sem_alloc : memref<!tpu.dma_semaphore, #tpu.memory_space<semaphore_mem>>
        %dma_start3A_14 = arith.constant 0 : i32
        %dma_start3A_15 = tpu.memref_slice %arg5[%mul3A_13, %dma_start3A_14] : memref<1024x128xf32, #tpu.memory_space<hbm>> -> memref<64x128xf32, #tpu.memory_space<hbm>>
        %dma_start3A_16 = arith.constant 0 : i32
        %dma_start3A_17 = tpu.memref_slice %arg5[%mul3A_13, %dma_start3A_16] : memref<1024x128xf32, #tpu.memory_space<hbm>> -> memref<64x128xf32, #tpu.memory_space<hbm>>
        tpu.enqueue_dma source(%arg8 : memref<64x128xf32, #tpu.memory_space<vmem>>) target(%dma_start3A_17 : memref<64x128xf32, #tpu.memory_space<hbm>>) target_semaphore(%run_scoped3A : memref<!tpu.dma_semaphore, #tpu.memory_space<semaphore_mem>>)
        %dma_wait3A_18 = arith.constant 0 : i32
        %dma_wait3A_19 = tpu.memref_slice %arg5[%mul3A_13, %dma_wait3A_18] : memref<1024x128xf32, #tpu.memory_space<hbm>> -> memref<64x128xf32, #tpu.memory_space<hbm>>
        %dma_wait3A_20 = arith.constant 0 : i32
        %dma_wait3A_21 = tpu.memref_slice %arg5[%mul3A_13, %dma_wait3A_20] : memref<1024x128xf32, #tpu.memory_space<hbm>> -> memref<64x128xf32, #tpu.memory_space<hbm>>
        tpu.wait_dma2 semaphore(%run_scoped3A : memref<!tpu.dma_semaphore, #tpu.memory_space<semaphore_mem>>) src(%arg8 : memref<64x128xf32, #tpu.memory_space<vmem>>) dst(%dma_wait3A_21 : memref<64x128xf32, #tpu.memory_space<hbm>>)
        tpu.yield
      }) : () -> ()
    } else {
    }
    %eq3A_3 = arith.constant 1 : i32
    %eq3A_4 = arith.cmpi eq, %arg0, %eq3A_3 : i32
    %convert_element_type3A_5 = arith.extui %eq3A_4 : i1 to i32
    %cond3A_6 = arith.constant 0 : i32
    %cond3A_7 = arith.cmpi ne, %convert_element_type3A_5, %cond3A_6 : i32
    scf.if %cond3A_7 {
      %dma_start3A = arith.constant 0 : i32
      %dma_start3A_8 = arith.constant 0 : i32
      %dma_start3A_9 = tpu.memref_slice %arg3[%dma_start3A, %dma_start3A_8] : memref<10240x128xf32, #tpu.memory_space<hbm>> -> memref<10240x128xf32, #tpu.memory_space<hbm>>
      tpu.enqueue_indirect_dma source(%dma_start3A_9 : memref<10240x128xf32, #tpu.memory_space<hbm>>) target(%arg8 : memref<64x128xf32, #tpu.memory_space<vmem>>) offsets(%arg7 : memref<64xi32, #tpu.memory_space<vmem>>) semaphore(%arg9 : memref<!tpu.dma_semaphore, #tpu.memory_space<semaphore_mem>>)
      %dma_wait3A = arith.constant 0 : i32
      %dma_wait3A_10 = arith.constant 0 : i32
      %dma_wait3A_11 = tpu.memref_slice %arg3[%dma_wait3A, %dma_wait3A_10] : memref<10240x128xf32, #tpu.memory_space<hbm>> -> memref<10240x128xf32, #tpu.memory_space<hbm>>
      tpu.wait_indirect_dma semaphore(%arg9 : memref<!tpu.dma_semaphore, #tpu.memory_space<semaphore_mem>>) src(%dma_wait3A_11 : memref<10240x128xf32, #tpu.memory_space<hbm>>) dst(%arg8 : memref<64x128xf32, #tpu.memory_space<vmem>>)
      %mul3A_12 = arith.constant 64 : i32
      %mul3A_13 = arith.muli %arg1, %mul3A_12 : i32
      "tpu.region"() ({
        %run_scoped3A = tpu.sem_alloc : memref<!tpu.dma_semaphore, #tpu.memory_space<semaphore_mem>>
        %dma_start3A_14 = arith.constant 0 : i32
        %dma_start3A_15 = tpu.memref_slice %arg6[%mul3A_13, %dma_start3A_14] : memref<1024x128xf32, #tpu.memory_space<hbm>> -> memref<64x128xf32, #tpu.memory_space<hbm>>
        %dma_start3A_16 = arith.constant 0 : i32
        %dma_start3A_17 = tpu.memref_slice %arg6[%mul3A_13, %dma_start3A_16] : memref<1024x128xf32, #tpu.memory_space<hbm>> -> memref<64x128xf32, #tpu.memory_space<hbm>>
        tpu.enqueue_dma source(%arg8 : memref<64x128xf32, #tpu.memory_space<vmem>>) target(%dma_start3A_17 : memref<64x128xf32, #tpu.memory_space<hbm>>) target_semaphore(%run_scoped3A : memref<!tpu.dma_semaphore, #tpu.memory_space<semaphore_mem>>)
        %dma_wait3A_18 = arith.constant 0 : i32
        %dma_wait3A_19 = tpu.memref_slice %arg6[%mul3A_13, %dma_wait3A_18] : memref<1024x128xf32, #tpu.memory_space<hbm>> -> memref<64x128xf32, #tpu.memory_space<hbm>>
        %dma_wait3A_20 = arith.constant 0 : i32
        %dma_wait3A_21 = tpu.memref_slice %arg6[%mul3A_13, %dma_wait3A_20] : memref<1024x128xf32, #tpu.memory_space<hbm>> -> memref<64x128xf32, #tpu.memory_space<hbm>>
        tpu.wait_dma2 semaphore(%run_scoped3A : memref<!tpu.dma_semaphore, #tpu.memory_space<semaphore_mem>>) src(%arg8 : memref<64x128xf32, #tpu.memory_space<vmem>>) dst(%dma_wait3A_21 : memref<64x128xf32, #tpu.memory_space<hbm>>)
        tpu.yield
      }) : () -> ()
    } else {
    }
    return
  }
}

module attributes {stable_mosaic.version = 14 : i64} {
  func.func @_tc_body(%arg0: memref<1024x128xf32, #tpu.memory_space<vmem>>, %arg1: memref<1024x128xf32, #tpu.memory_space<vmem>>, %arg2: memref<128x128xf32, #tpu.memory_space<vmem>>, %arg3: memref<1024x128xf32, #tpu.memory_space<vmem>>) attributes {dimension_semantics = [], scalar_prefetch = 0 : i64, scratch_operands = 0 : i64, tpu.core_type = #tpu.core_type<tc>} {
    %get3A = arith.constant 0 : index
    %get3A_0 = arith.constant 0 : index
    %get3A_1 = vector.load %arg1[%get3A, %get3A_0] : memref<1024x128xf32, #tpu.memory_space<vmem>>, vector<1024x1xf32>
    %get3A_2 = vector.shape_cast %get3A_1 : vector<1024x1xf32> to vector<1024xf32>
    %get3A_3 = arith.constant 0 : index
    %get3A_4 = arith.constant 0 : index
    %get3A_5 = vector.load %arg0[%get3A_3, %get3A_4] : memref<1024x128xf32, #tpu.memory_space<vmem>>, vector<1024x128xf32>
    %get3A_6 = arith.constant 0 : index
    %get3A_7 = arith.constant 0 : index
    %get3A_8 = vector.load %arg2[%get3A_6, %get3A_7] : memref<128x128xf32, #tpu.memory_space<vmem>>, vector<128x128xf32>
    %dot_general3A = arith.constant dense<0.000000e+00> : vector<1024x128xf32>
    %dot_general3A_9 = tpu.matmul %get3A_5, %get3A_8, %dot_general3A {dimension_numbers = #tpu.dot_dimension_numbers<[1], [0], [0], [1], [0, 0, 1, 1], [], []>, transpose_lhs_hint = false} : vector<1024x128xf32>, vector<128x128xf32>, vector<1024x128xf32> -> vector<1024x128xf32>
    %jit3A = arith.constant 1.000000e+00 : f32
    %max3A = vector.broadcast %jit3A : f32 to vector<1024xf32>
    %max3A_10 = arith.maximumf %max3A, %get3A_2 : vector<1024xf32>
    %broadcast_in_dim3A = vector.shape_cast %max3A_10 : vector<1024xf32> to vector<1024x1xf32>
    %div3A = vector.broadcast %broadcast_in_dim3A : vector<1024x1xf32> to vector<1024x128xf32>
    %div3A_11 = arith.divf %dot_general3A_9, %div3A : vector<1024x128xf32>
    %swap3A = arith.constant 0 : index
    %swap3A_12 = arith.constant 0 : index
    %swap3A_13 = vector.load %arg3[%swap3A, %swap3A_12] : memref<1024x128xf32, #tpu.memory_space<vmem>>, vector<1024x128xf32>
    tpu.vector_store %arg3[%swap3A, %swap3A_12], %div3A_11 {strides = array<i32>} : memref<1024x128xf32, #tpu.memory_space<vmem>>, vector<1024x128xf32>,
    return
  }
}

</mosaic_0001>

<sc_bundles>
// kernel: kernel.5.cloned.1.call-start
scs
__scs_entry_jumppad:
0x0: {  	(pc) =	sbr.rel $0x88, $3  }
0x1: {  	(tag) =	ssettag $0x0;
	lr =	simm.s32 $0x1  }
0x2: {  	[smem:$0x3F9D] =	sst lr;
	_ =	strace $0xD0000000  }
0x3: {  	_ = 	snop  }
0x4: {  	_ = 	snop  }
0x5: {  	_ = 	snop  }
0x6: {  	_ = 	snop  }
0x7: {  	_ = 	snop  }
__scs_overlays_trampoline_lowered:
0x8: {  	[smem:$0x3FAC] =	sst s0  }
0x9: {  	[smem:$0x3FAD] =	sst s1  }
0xa: {  	[smem:$0x3FAE] =	sst s2  }
0xb: {  	[smem:$0x3FAF] =	sst s3  }
0xc: {  	[smem:$0x3FB0] =	sst s4  }
0xd: {  	[smem:$0x3FB1] =	sst s5  }
0xe: {  	[smem:$0x3FB2] =	sst s6  }
0xf: {  	[smem:$0x3FB3] =	sst s7  }
0x10: {  	[smem:$0x3FB4] =	sst s8  }
0x11: {  	[smem:$0x3FB5] =	sst s9;
	s0 =	simm.s32 @!p0 $0x0  }
0x12: {  	s1 =	sld [smem:$0x3F9B];
	s0 =	simm.s32 @p0 $0x1  }
0x13: {  	[smem:$0x3FB6] =	sst s0;
	s0 =	simm.s32 @!p1 $0x0  }
0x14: {  	s2 =	sld [smem:$0x3F9A];
	s0 =	simm.s32 @p1 $0x1  }
0x15: {  	[smem:$0x3FB7] =	sst s0;
	s0 =	simm.s32 @!p2 $0x0  }
0x16: {  	s3 =	sld [smem:$0x3FDB];
	s0 =	simm.s32 @p2 $0x1  }
0x17: {  	s4 =	simm.s32 $0x1BF5;
	[smem:$0x3FB9] =	sst s0  }
0x18: {  	s0 =	sld [smem:$0x3F9C];
	_ =	swait.ge [sflag:s4], $0x0  }
0x19: {  	s7 =	sld [smem:$0x3F9D]  }
0x1a: {  	s8 =	sadd.s32 $0xFFFFE003, lr  }
0x1b: {  	s9 =	sadd.s32 $0xFFFFFEF7, lr;
	s5 =	simm.s32 $0xFFFFFFFF;
	p2 =	slt.u32 s8, $0xFFFFF086  }
0x1c: {  	p1 =	slt.u32 s9, $0xF7A;
	s5 =	simm.s32 @!p2 $0x0  }
0x1d: {  	s5 =	simm.s32 @p1 $0x1;
	p0 =	seq.s32 s7, s2  }
0x1e: {  	s7 =	smul.u32 @!p0 $0xF7A, s2;
	p2 =	seq.s32 @!p0 s5, $0x0  }
0x1f: {  	s9 =	smul.u32 $0xF7A, s1;
	s8 =	simm.s32 @!p0 $0x1BF5;
	p2 =	por !p2, p0  }
0x20: {  	[sflag:s8] =	ssyncset.s32 @!p0 $0xFFFFF086;
	s6 =	sadd.s32 @!p0 s3, s7;
	s7 =	simm.s32 @!p0 $0x108  }
0x21: {  	s3 =	sadd.s32 s3, s9;
	s6 =	sadd.s32 @!p0 $0x88, s6;
	s7 =	simm.s32 @p2 $0x1082  }
0x22: {  	[simem:s7], [sflag:s8] =	dma.local @!p0 [hbm:s6], $0xF7A  }
0x23: {  	s9 =	sor.u32 $0xD0000000, s2;
	s6 =	simm.s32 $0x108;
	_ =	swait.ge @!p0 [sflag:s8], $0x0  }
0x24: {  	s3 =	sadd.s32 $0x88, s3;
	s6 =	simm.s32 @!p1 $0x1082;
	[sflag:s4] =	ssyncset.s32 $0xFFFFF086  }
0x25: {  	[simem:s6], [sflag:s4] =	dma.local [hbm:s3], $0xF7A  }
0x26: {  	[smem:$0x3F9D] =	sst s1;
	(tag) =	ssettag s2;
	_ =	strace s9  }
0x27: {  	s1 =	sld [smem:$0x3FAD]  }
0x28: {  	s2 =	sld [smem:$0x3FAE]  }
0x29: {  	s4 =	sld [smem:$0x3FB0]  }
0x2a: {  	p0 =	seq.s32 s5, $0x0;
	s5 =	sld [smem:$0x3FB1]  }
0x2b: {  	s6 =	sld [smem:$0x3FB2]  }
0x2c: {  	s7 =	sld [smem:$0x3FB3]  }
0x2d: {  	s3 =	simm.s32 $0x108;
	s8 =	sld [smem:$0x3FB4]  }
0x2e: {  	s3 =	simm.s32 @!p0 $0x1082;
	s9 =	sld [smem:$0x3FB5]  }
0x2f: {  	lr =	sadd.s32 s0, s3;
	s0 =	sld [smem:$0x3FAC]  }
0x30: {  	s3 =	sld [smem:$0x3FAF]  }
0x31: {  	[smem:$0x3FB8] =	sst s10  }
0x32: {  	s10 =	sld [smem:$0x3FB6];
	_ =	sdelay $0x3  }
0x33: {  	p0 =	seq.s32 s10, $0x1;
	s10 =	sld [smem:$0x3FB8];
	_ =	sdelay $0x3  }
0x34: {  	[smem:$0x3FB8] =	sst s10  }
0x35: {  	s10 =	sld [smem:$0x3FB7];
	_ =	sdelay $0x3  }
0x36: {  	p1 =	seq.s32 s10, $0x1;
	s10 =	sld [smem:$0x3FB8];
	_ =	sdelay $0x3  }
0x37: {  	[smem:$0x3FB8] =	sst s10  }
0x38: {  	s10 =	sld [smem:$0x3FB9]  }
0x39: {  	_ = 	snop;
	(pc) =	sbr.ind lr, $3  }
0x3a: {  	_ = 	snop  }
0x3b: {  	_ = 	snop  }
0x3c: {  	p2 =	seq.s32 s10, $0x1;
	s10 =	sld [smem:$0x3FB8]  }
0x3d: {  	_ =	shalt  }
0x3e: {  	_ =	shalt  }
0x3f: {  	_ =	shalt  }
0x40: {  	_ =	shalt  }
0x41: {  	_ =	shalt  }
0x42: {  	_ =	shalt  }
0x43: {  	_ =	shalt  }
0x44: {  	_ =	shalt  }
0x45: {  	_ =	shalt  }
0x46: {  	_ =	shalt  }
0x47: {  	_ =	shalt  }
0x48: {  	_ =	shalt  }
0x49: {  	_ =	shalt  }
0x4a: {  	_ =	shalt  }
0x4b: {  	_ =	shalt  }
0x4c: {  	_ =	shalt  }
0x4d: {  	_ =	shalt  }
0x4e: {  	_ =	shalt  }
0x4f: {  	_ =	shalt  }
0x50: {  	_ =	shalt  }
0x51: {  	_ =	shalt  }
0x52: {  	_ =	shalt  }
0x53: {  	_ =	shalt  }
0x54: {  	_ =	shalt  }
0x55: {  	_ =	shalt  }
0x56: {  	_ =	shalt  }
0x57: {  	_ =	shalt  }
0x58: {  	_ =	shalt  }
0x59: {  	_ =	shalt  }
0x5a: {  	_ =	shalt  }
0x5b: {  	_ =	shalt  }
0x5c: {  	_ =	shalt  }
0x5d: {  	_ =	shalt  }
0x5e: {  	_ =	shalt  }
0x5f: {  	_ =	shalt  }
0x60: {  	_ =	shalt  }
0x61: {  	_ =	shalt  }
0x62: {  	_ =	shalt  }
0x63: {  	_ =	shalt  }
0x64: {  	_ =	shalt  }
0x65: {  	_ =	shalt  }
0x66: {  	_ =	shalt  }
0x67: {  	_ =	shalt  }
0x68: {  	_ =	shalt  }
0x69: {  	_ =	shalt  }
0x6a: {  	_ =	shalt  }
0x6b: {  	_ =	shalt  }
0x6c: {  	_ =	shalt  }
0x6d: {  	_ =	shalt  }
0x6e: {  	_ =	shalt  }
0x6f: {  	_ =	shalt  }
0x70: {  	_ =	shalt  }
0x71: {  	_ =	shalt  }
0x72: {  	_ =	shalt  }
0x73: {  	_ =	shalt  }
0x74: {  	_ =	shalt  }
0x75: {  	_ =	shalt  }
0x76: {  	_ =	shalt  }
0x77: {  	_ =	shalt  }
0x78: {  	_ =	shalt  }
0x79: {  	_ =	shalt  }
0x7a: {  	_ =	shalt  }
0x7b: {  	_ =	shalt  }
0x7c: {  	_ =	shalt  }
0x7d: {  	_ =	shalt  }
0x7e: {  	_ =	shalt  }
0x7f: {  	_ =	shalt  }
0x80: {  	_ =	shalt  }
0x81: {  	_ =	shalt  }
0x82: {  	_ =	shalt  }
0x83: {  	_ =	shalt  }
0x84: {  	_ =	shalt  }
0x85: {  	_ =	shalt  }
0x86: {  	_ =	shalt  }
0x87: {  	_ =	shalt  }
.Lfunc_end0:
.L_simem_size_0:
called_computation_lowered:
.L_overlay_start_0:
0x88: {  	s2 =	sld [smem:$0x3FD9]  }
0x89: {  	s3 =	sld [smem:$0x3FFE];
	_ =	sdelay $0x1  }
0x8a: {  	s1 =	srdreg.scid  }
0x8b: {  	s0 =	sand.u32 $0x1, s1  }
0x8c: {  	s17 =	sshll.u32 s0, $0xA;
	s2 =	sadd.s32 s3, s2  }
0x8d: {  	s2 =	sadd.s32 s2, s17  }
0x8e: {  	[smem:$0x3FC4] =	sst s2  }
0x8f: {  	_ = 	snop  }
0x90: {  	s2 =	sld [smem:$0x3FC9]  }
0x91: {  	s18 =	sld [smem:$0x3FD0];
	(tm) =	ssettm $0x1  }
0x92: {  	s4 =	sld [smem:$0x3FFB];
	_ =	sdelay $0x3  }
0x93: {  	_ =	strace s4  }
0x94: {  	s4 =	sld [smem:$0x3FFC];
	_ =	sdelay $0x3  }
0x95: {  	_ =	strace s4  }
0x96: {  	s4 =	sld [smem:$0x3FFD];
	_ =	sdelay $0x3  }
0x97: {  	_ =	strace s4  }
0x98: {  	_ =	strace $0x8FFFFFFF  }
0x99: {  	s19 =	sld [smem:$0x3FDB];
	_ =	sdelay $0x1  }
0x9a: {  	s5 =	simm.s32 $_scs_section_size  }
0x9b: {  	s6 =	simm.s32 $_size__tile_overlayer_lowered;
	s7 =	simm.s32 $_tile_overlayer_lowered  }
0x9c: {  	s22 =	simm.s32 $0x1BFF;
	s21 =	sshll.u32 s7, $0x1;
	s4 =	sadd.s32 s5, s19  }
0x9d: {  	s8 =	simm.s32 $0x0;
	s20 =	sshll.u32 s6, $0x1;
	s6 =	sadd.s32 s21, s4  }
0x9e: {  	[timem:s8], [sflag:s22] =	dma.local [hbm:s6], s20  }
0x9f: {  	_ =	swait.ge [sflag:s22], s20  }
0xa0: {  	s5 =	ssub.s32 $0x0, s20;
	[sflag:s22] =	ssyncset.done $0x0  }
0xa1: {  	[sflag:s22] =	ssyncadd.s32 s5;
	_ =	sdelay $0x1  }
0xa2: {  	s23 =	simm.s32 $0x1B8B  }
0xa3: {  	_ =	swait.ge [sflag:s23], $0x1  }
0xa4: {  	[sflag:s23] =	ssyncset.done $0x0  }
0xa5: {  	s25 =	simm.s32 $0x1B8E;
	s24 =	sld [smem:$0x3FFE];
	[sflag:s23] =	ssyncadd.s32 $0xFFFFFFFF  }
0xa6: {  	s26 =	simm.s32 $execute0_lowered;
	[smem:$0x3FD2] =	sst s25  }
0xa7: {  	s6 =	sshll.u32 s26, $0x1;
	_ =	strace $0x80000046;
	[dreg:$0x1] =	wrdreg $0xFFFFFFFF  }
0xa8: {  	s28 =	simm.s32 $_size_execute0_lowered;
	s4 =	sadd.s32 s4, s6;
	[dreg:$0x0] =	wrdreg $0x0  }
0xa9: {  	s6 =	sshll.u32 s28, $0x1;
	[dreg:$0x2] =	wrdreg s4  }
0xaa: {  	[dreg:$0x3] =	wrdreg s6  }
0xab: {  	[dreg:$0x4] =	wrdreg $0xC0  }
0xac: {  	_ =	task [dreg:s8], $0x5FFFF  }
0xad: {  	[dreg:$0x1] =	wrdreg $0xFFFFFFFF  }
0xae: {  	[dreg:$0x0] =	wrdreg $0x60  }
0xaf: {  	[dreg:$0x2] =	wrdreg s2  }
0xb0: {  	[dreg:$0x3] =	wrdreg s24  }
0xb1: {  	[dreg:$0x4] =	wrdreg s18  }
0xb2: {  	[dreg:$0x5] =	wrdreg $0x0  }
0xb3: {  	[dreg:$0x6] =	wrdreg $0x9  }
0xb4: {  	_ =	task.clear_ibuf [dreg:s8], $0x7FFFF;
	_ =	strace $0x90000046  }
0xb5: {  	s29 =	simm.s32 $0x9;
	_ =	strace $0x80000048  }
0xb6: {  	_ =	swait.ge [sflag:s29], $0x1  }
0xb7: {  	[sflag:s29] =	ssyncadd.s32 $0xFFFFFFFF  }
0xb8: {  	_ =	strace $0x90000048  }
0xb9: {  	_ =	sfence  }
0xba: {  	s30 =	sld [smem:$0x0];
	_ =	sdelay $0x2  }
0xbb: {  	s31 =	sshll.u32 s1, $0xD;
	s1 =	sshrl.u32 s1, $0x2  }
0xbc: {  	s3 =	sand.u32 $0x4000, s31;
	s1 =	sadd.s32 s1, s30  }
0xbd: {  	s0 =	sor.u32 s3, s0;
	s1 =	sshll.u32 s1, $0x11  }
0xbe: {  	s0 =	sor.u32 s1, s0  }
0xbf: {  	s0 =	sadd.s32 $0x8F2B, s0  }
0xc0: {  	[sflag:s0] =	ssyncadd.remote.s32 $0x1  }
0xc1: {  	_ =	sfence.sel $0xFFFF  }
0xc2: {  	[dreg:$0x0] =	wrdreg $0xFFFFFFFF;
	(pc) =	sbr.abs _section_cstart, $3  }
0xc3: {  	[dreg:$0x1] =	wrdreg $0xFFFFFFFF  }
0xc4: {  	_ =	task.clear_ibuf [dreg:s8], $0x2FFFF;
	_ =	strace $0x9FFFFFFF  }
0xc5: {  	(tm) =	ssettm $0x7FFFFFFF  }
tec
execute0_lowered:
.L_overlay_start_1:
0x0: {  	(tag) =	ssettag $0x1  }
0x1: {  	s1 =	rddreg [dreg:$0x0]  }
0x2: {  	s10 =	rddreg [dreg:$0x1]  }
0x3: {  	s2 =	rddreg [dreg:$0x2]  }
0x4: {  	s3 =	rddreg [dreg:$0x3]  }
0x5: {  	s0 =	rddreg [dreg:$0x4]  }
0x6: {  	s5 =	simm.s32 $0x0;
	s4 =	stileid.u32;
	s8 =	srdreg.scid  }
0x7: {  	s17 =	simm.s32 $0x14000;
	s18 =	simm.s32 $0x14080;
	s19 =	simm.s32 $0x80  }
0x8: {  	s20 =	simm.s32 $0x14100;
	s21 =	simm.s32 $0x1;
	s22 =	simm.s32 $0x0  }
0x9: {  	[smem:$0x7FF] =	sst s5;
	s6 =	sadd.s32 $0xAE00, s10;
	s7 =	smul.u32 $0x2800, s4  }
0xa: {  	s15 =	sand.u32 $0x1, s8;
	s8 =	sadd.s32 $0xE00, s10;
	s12 =	smul.u32 $0x50000, s4  }
0xb: {  	s9 =	sadd.s32 $0x3CE00, s10;
	s31 =	sshll.u32 s4, $0x6;
	_ =	strace $0x80000047  }
.Ltmp0:
0xc: {  	s11 =	ssub.s32 $0x2, s15;
	p0 =	sne.s32 s15, $0x0;
	(pc) =	sbr.rel .LBB2_1-.Ltmp0, $4  }
0xd: {  	s13 =	sadd.s32 s7, s10;
	s14 =	sshrl.u32 s11, $0x1;
	s10 =	sadd.s32 $0x64E00, s10  }
0xe: {  	s30 =	sshrl.u32 s12, $0x2;
	s12 =	sor.u32 $0x1C02, s31;
	s14 =	ssub.s32 s11, s14  }
0xf: {  	s16 =	sadd.s32 s30, s3;
	s11 =	sadd.s32 $0x14E00, s13;
	s13 =	smul.u32 $0x5000, s4  }
0x10: {  	s14 =	smax.u32 s14, $0x1;
	s15 =	sshrl.u32 s16, $0x3;
	s16 =	simm.s32 $0x2  }
.LBB2_7:
0x11: {  	s23 =	sshrl.u32 s24, $0x3  }
0x12: {  	[sflag:s16] =	ssyncadd.s32 $0xFFFFC000;
	s23 =	sadd.s32 s8, s23  }
0x13: {  	[tilespmem:s18], [sflag:$0x2] =	stream.linear.gather [hbm4b:s23+s5], $0x80, $0x38;
	[tilespmem:$0x18100] =	vst v63  }
0x14: {  	_ =	swait.ge [sflag:s16], $0x80  }
0x15: {  	[sflag:s16] =	ssyncset.done $0x0  }
0x16: {  	[sflag:s16] =	ssyncadd.s32 $0xFFFFFF80  }
0x17: {  	[spmem:s3] =	stream.indirect.scatter.add.f32 [tilespmem:s20], [sflag:$0x2], $0x80, s18, s19, $0xb8;
	[tilespmem:$0x18100] =	vst v63  }
0x18: {  	_ =	swait.ge [sflag:s16], $0x4000  }
0x19: {  	[sflag:s16] =	ssyncset.done $0x0  }
0x1a: {  	s23 =	smov.u32 s10;
	[sflag:s16] =	ssyncadd.s32 $0xFFFFC000  }
.LBB2_8:
0x1b: {  	s22 =	sadd.s32 $0x1, s22  }
0x1c: {  	p1 =	sne.s32 s22, s14  }
.Ltmp1:
0x1d: {  	s23 =	sadd.s32 s23, s7;
	[bflag:$0x0] =	sbarrier.arrive $0xFFFF;
	(pc) =	sbr.rel @!p1 .LBB2_9-.Ltmp1, $4  }
0x1e: {  	[hbm:s23], [sflag:s12] =	dma.local [spmem:s15], $0x2800  }
0x1f: {  	_ =	swait.ge [sflag:s16], $0x2800  }
0x20: {  	[sflag:s16] =	ssyncset.done $0x0  }
0x21: {  	[sflag:s16] =	ssyncadd.s32 $0xFFFFD800  }
.LBB2_1:
0x22: {  	[spmem:s15], [sflag:s12] =	dma.local [hbm:s11], $0x2800  }
.Ltmp2:
0x23: {  	_ =	swait.ge [sflag:s16], $0x2800;
	(pc) =	sbr.rel @p0 .LBB2_5-.Ltmp2, $3  }
0x24: {  	[sflag:s16] =	ssyncset.done $0x0  }
0x25: {  	[sflag:s16] =	ssyncadd.s32 $0xFFFFD800  }
0x26: {  	[bflag:$0x0] =	sbarrier.arrive $0xFFFF;
	_ =	sdelay $0x1  }
0x27: {  	s23 =	sand.u32 $0x7C00, s5  }
0x28: {  	s24 =	sand.u32 $0x380, s5;
	s23 =	sadd.s32 s13, s23  }
0x29: {  	s23 =	sor.u32 s24, s23  }
0x2a: {  	s23 =	sshrl.u32 s23, $0x3  }
0x2b: {  	s29 =	sadd.s32 s6, s23  }
0x2c: {  	[tilespmem:s17], [sflag:$0x2] =	stream.linear.gather [hbm4b:s29+s5], $0x80, $0x38;
	[tilespmem:$0x18100] =	vst v63  }
0x2d: {  	_ =	swait.ge [sflag:s16], $0x80  }
0x2e: {  	[sflag:s16] =	ssyncset.done $0x0  }
0x2f: {  	s23 =	sadd.s32 s8, s23;
	[sflag:s16] =	ssyncadd.s32 $0xFFFFFF80  }
0x30: {  	[tilespmem:s18], [sflag:$0x2] =	stream.linear.gather [hbm4b:s23+s5], $0x80, $0x38;
	[tilespmem:$0x18100] =	vst v63  }
0x31: {  	_ =	swait.ge [sflag:s16], $0x80  }
0x32: {  	[sflag:s16] =	ssyncset.done $0x0  }
0x33: {  	[sflag:s16] =	ssyncadd.s32 $0xFFFFFF80  }
0x34: {  	[tilespmem:s20], [sflag:$0x1] =	stream.indirect.gather [hbm4b:s1+s19], $0x80, s17, s19, $0xb8;
	[tilespmem:$0x18100] =	vst v63  }
0x35: {  	_ =	swait.ge [sflag:s21], $0x4000  }
0x36: {  	s30 =	simm.s32 $0x80;
	[sflag:s21] =	ssyncset.done $0x0  }
0x37: {  	s31 =	sand.u32 $0x7C00, s30;
	[sflag:s21] =	ssyncadd.s32 $0xFFFFC000  }
0x38: {  	[spmem:s3] =	stream.indirect.scatter.add.f32 [tilespmem:s20], [sflag:$0x2], $0x80, s18, s19, $0xb8;
	[tilespmem:$0x18100] =	vst v63  }
0x39: {  	s25 =	sand.u32 $0x380, s30;
	s24 =	sadd.s32 s13, s31;
	_ =	swait.ge [sflag:s16], $0x4000  }
0x3a: {  	s24 =	sor.u32 s25, s24;
	s23 =	simm.s32 $0x100;
	[sflag:s16] =	ssyncset.done $0x0  }
.LBB2_3:
0x3b: {  	s24 =	sshrl.u32 s24, $0x3  }
0x3c: {  	[sflag:s16] =	ssyncadd.s32 $0xFFFFC000;
	s25 =	smov.u32 s23;
	s26 =	sadd.s32 $0x80, s23  }
0x3d: {  	p1 =	seq.s32 s23, $0x4E00;
	s23 =	sadd.s32 s6, s24  }
0x3e: {  	[tilespmem:s17], [sflag:$0x2] =	stream.linear.gather [hbm4b:s23+s5], $0x80, $0x38;
	[tilespmem:$0x18100] =	vst v63  }
0x3f: {  	_ =	swait.ge [sflag:s16], $0x80  }
0x40: {  	[sflag:s16] =	ssyncset.done $0x0  }
0x41: {  	s23 =	sadd.s32 s8, s24;
	[sflag:s16] =	ssyncadd.s32 $0xFFFFFF80  }
0x42: {  	[tilespmem:s18], [sflag:$0x2] =	stream.linear.gather [hbm4b:s23+s5], $0x80, $0x38;
	[tilespmem:$0x18100] =	vst v63  }
0x43: {  	_ =	swait.ge [sflag:s16], $0x80  }
0x44: {  	[sflag:s16] =	ssyncset.done $0x0  }
0x45: {  	[sflag:s16] =	ssyncadd.s32 $0xFFFFFF80  }
0x46: {  	[tilespmem:s20], [sflag:$0x1] =	stream.indirect.gather [hbm4b:s1+s19], $0x80, s17, s19, $0xb8;
	[tilespmem:$0x18100] =	vst v63  }
0x47: {  	_ =	swait.ge [sflag:s21], $0x4000  }
.Ltmp3:
0x48: {  	[sflag:s21] =	ssyncset.done $0x0;
	(pc) =	sbr.rel @!p1 .LBB2_3-.Ltmp3, $4  }
0x49: {  	s23 =	sand.u32 $0x7C00, s25;
	[sflag:s21] =	ssyncadd.s32 $0xFFFFC000  }
0x4a: {  	[spmem:s3] =	stream.indirect.scatter.add.f32 [tilespmem:s20], [sflag:$0x2], $0x80, s18, s19, $0xb8;
	[tilespmem:$0x18100] =	vst v63  }
0x4b: {  	s24 =	sand.u32 $0x380, s25;
	s23 =	sadd.s32 s13, s23;
	_ =	swait.ge [sflag:s16], $0x4000  }
0x4c: {  	s24 =	sor.u32 s24, s23;
	s23 =	smov.u32 s26;
	[sflag:s16] =	ssyncset.done $0x0  }
0x4d: {  	s23 =	sshrl.u32 s24, $0x3  }
0x4e: {  	[sflag:s16] =	ssyncadd.s32 $0xFFFFC000;
	s24 =	sadd.s32 s6, s23  }
0x4f: {  	[tilespmem:s17], [sflag:$0x2] =	stream.linear.gather [hbm4b:s24+s5], $0x80, $0x38;
	[tilespmem:$0x18100] =	vst v63  }
0x50: {  	_ =	swait.ge [sflag:s16], $0x80  }
0x51: {  	[sflag:s16] =	ssyncset.done $0x0  }
0x52: {  	s23 =	sadd.s32 s8, s23;
	[sflag:s16] =	ssyncadd.s32 $0xFFFFFF80  }
0x53: {  	[tilespmem:s18], [sflag:$0x2] =	stream.linear.gather [hbm4b:s23+s5], $0x80, $0x38;
	[tilespmem:$0x18100] =	vst v63  }
0x54: {  	_ =	swait.ge [sflag:s16], $0x80  }
0x55: {  	[sflag:s16] =	ssyncset.done $0x0  }
0x56: {  	[sflag:s16] =	ssyncadd.s32 $0xFFFFFF80  }
0x57: {  	[tilespmem:s20], [sflag:$0x1] =	stream.indirect.gather [hbm4b:s1+s19], $0x80, s17, s19, $0xb8;
	[tilespmem:$0x18100] =	vst v63  }
0x58: {  	_ =	swait.ge [sflag:s21], $0x4000  }
0x59: {  	[sflag:s21] =	ssyncset.done $0x0  }
.Ltmp4:
0x5a: {  	[sflag:s21] =	ssyncadd.s32 $0xFFFFC000;
	(pc) =	sbr.rel .LBB2_8-.Ltmp4, $4  }
0x5b: {  	[spmem:s3] =	stream.indirect.scatter.add.f32 [tilespmem:s20], [sflag:$0x2], $0x80, s18, s19, $0xb8;
	[tilespmem:$0x18100] =	vst v63  }
0x5c: {  	_ =	swait.ge [sflag:s16], $0x4000  }
0x5d: {  	[sflag:s16] =	ssyncset.done $0x0  }
0x5e: {  	s23 =	smov.u32 s9;
	[sflag:s16] =	ssyncadd.s32 $0xFFFFC000  }
.LBB2_5:
0x5f: {  	s23 =	simm.s32 $0x0  }
0x60: {  	[tilespmem:s20], [sflag:$0x2] =	stream.linear.gather [hbm4b:s2+s23], $0x4000, $0x38;
	[tilespmem:$0x18100] =	vst v63  }
0x61: {  	s24 =	sand.u32 $0x7C00, s23  }
0x62: {  	s23 =	sand.u32 $0x380, s23;
	s24 =	sadd.s32 s13, s24  }
0x63: {  	_ =	swait.ge [sflag:s16], $0x4000;
	s23 =	sor.u32 s23, s24  }
0x64: {  	[sflag:s16] =	ssyncset.done $0x0;
	s23 =	sshrl.u32 s23, $0x3  }
0x65: {  	[sflag:s16] =	ssyncadd.s32 $0xFFFFC000;
	s23 =	sadd.s32 s8, s23  }
0x66: {  	[tilespmem:s18], [sflag:$0x2] =	stream.linear.gather [hbm4b:s23+s5], $0x80, $0x38;
	[tilespmem:$0x18100] =	vst v63  }
0x67: {  	_ =	swait.ge [sflag:s16], $0x80  }
0x68: {  	s30 =	simm.s32 $0x80;
	[sflag:s16] =	ssyncset.done $0x0  }
0x69: {  	s31 =	sand.u32 $0x7C00, s30;
	[sflag:s16] =	ssyncadd.s32 $0xFFFFFF80  }
0x6a: {  	[spmem:s3] =	stream.indirect.scatter.add.f32 [tilespmem:s20], [sflag:$0x2], $0x80, s18, s19, $0xb8;
	[tilespmem:$0x18100] =	vst v63  }
0x6b: {  	s25 =	sand.u32 $0x380, s30;
	s24 =	sadd.s32 s13, s31;
	_ =	swait.ge [sflag:s16], $0x4000  }
0x6c: {  	s24 =	sor.u32 s25, s24;
	s23 =	simm.s32 $0x100;
	[sflag:s16] =	ssyncset.done $0x0  }
.LBB2_6:
0x6d: {  	s24 =	sshrl.u32 s24, $0x3  }
0x6e: {  	[sflag:s16] =	ssyncadd.s32 $0xFFFFC000;
	s25 =	smov.u32 s23;
	s26 =	sadd.s32 $0x80, s23  }
0x6f: {  	p1 =	sne.s32 s23, $0x4E00;
	s23 =	sadd.s32 s8, s24  }
0x70: {  	[tilespmem:s18], [sflag:$0x2] =	stream.linear.gather [hbm4b:s23+s5], $0x80, $0x38;
	[tilespmem:$0x18100] =	vst v63  }
0x71: {  	_ =	swait.ge [sflag:s16], $0x80  }
.Ltmp5:
0x72: {  	[sflag:s16] =	ssyncset.done $0x0;
	(pc) =	sbr.rel @p1 .LBB2_6-.Ltmp5, $4  }
0x73: {  	s23 =	sand.u32 $0x7C00, s25;
	[sflag:s16] =	ssyncadd.s32 $0xFFFFFF80  }
0x74: {  	[spmem:s3] =	stream.indirect.scatter.add.f32 [tilespmem:s20], [sflag:$0x2], $0x80, s18, s19, $0xb8;
	[tilespmem:$0x18100] =	vst v63  }
0x75: {  	s24 =	sand.u32 $0x380, s25;
	s23 =	sadd.s32 s13, s23;
	_ =	swait.ge [sflag:s16], $0x4000  }
0x76: {  	s24 =	sor.u32 s24, s23;
	s23 =	smov.u32 s26;
	[sflag:s16] =	ssyncset.done $0x0  }
.Ltmp6:
0x77: {  	_ = 	snop;
	(pc) =	sbr.rel .LBB2_7-.Ltmp6, $1  }
0x78: {  	_ =	sdelay $0x3  }
.LBB2_9:
0x79: {  	_ =	sfence.sel $0x180000  }
0x7a: {  	[bflag:$0x0] =	sbarrier.arrive $0xFFFF  }
0x7b: {  	p0 =	sne.s32 s4, $0x0;
	_ =	strace $0x90000047  }
0x7c: {  	s0 =	sadd.s32 @!p0 $0x100000, s0;
	[bflag:$0x2] =	sbarrier.arrive $0xFFFF  }
0x7d: {  	[sflag:s0] =	ssyncadd.tile.s32 @!p0 $0x1;
	_ =	shalt  }
.Lfunc_end2:
_tile_overlayer_lowered:
.L_overlay_start_2:
0x7e: {  	(tag) =	ssettag $0x2  }
0x7f: {  	s0 =	rddreg [dreg:$0x0];
	s2 =	stileid.u32  }
0x80: {  	s1 =	rddreg [dreg:$0x1];
	p0 =	sne.s32 s2, $0x0  }
0x81: {  	s3 =	rddreg [dreg:$0x2];
	[bflag:$0x3] =	sbarrier.arrive $0xFFFF;
	s2 =	simm.s32 @!p0 $0x1C02  }
0x82: {  	[timem:s3], [sflag:s2] =	dma.local @!p0 [hbm:s0], s1  }
0x83: {  	s0 =	simm.s32 @!p0 $0x2  }
0x84: {  	_ =	swait.ge @!p0 [sflag:s0], s1  }
0x85: {  	s1 =	ssub.s32 @!p0 $0x0, s1;
	[sflag:s0] =	ssyncset.done @!p0 $0x0  }
0x86: {  	[sflag:s0] =	ssyncadd.s32 @!p0 s1  }
0x87: {  	[bflag:$0x3] =	sbarrier.arrive $0xFFFF  }
0x88: {  	_ =	shalt  }

// kernel: kernel.8.cloned.1.call-start
scs
__scs_entry_jumppad:
0x0: {  	(pc) =	sbr.rel $0x88, $3  }
0x1: {  	(tag) =	ssettag $0x0;
	lr =	simm.s32 $0x1  }
0x2: {  	[smem:$0x3F9D] =	sst lr;
	_ =	strace $0xD0000000  }
0x3: {  	_ = 	snop  }
0x4: {  	_ = 	snop  }
0x5: {  	_ = 	snop  }
0x6: {  	_ = 	snop  }
0x7: {  	_ = 	snop  }
__scs_overlays_trampoline_lowered:
0x8: {  	[smem:$0x3FAC] =	sst s0  }
0x9: {  	[smem:$0x3FAD] =	sst s1  }
0xa: {  	[smem:$0x3FAE] =	sst s2  }
0xb: {  	[smem:$0x3FAF] =	sst s3  }
0xc: {  	[smem:$0x3FB0] =	sst s4  }
0xd: {  	[smem:$0x3FB1] =	sst s5  }
0xe: {  	[smem:$0x3FB2] =	sst s6  }
0xf: {  	[smem:$0x3FB3] =	sst s7  }
0x10: {  	[smem:$0x3FB4] =	sst s8  }
0x11: {  	[smem:$0x3FB5] =	sst s9;
	s0 =	simm.s32 @!p0 $0x0  }
0x12: {  	s1 =	sld [smem:$0x3F9B];
	s0 =	simm.s32 @p0 $0x1  }
0x13: {  	[smem:$0x3FB6] =	sst s0;
	s0 =	simm.s32 @!p1 $0x0  }
0x14: {  	s2 =	sld [smem:$0x3F9A];
	s0 =	simm.s32 @p1 $0x1  }
0x15: {  	[smem:$0x3FB7] =	sst s0;
	s0 =	simm.s32 @!p2 $0x0  }
0x16: {  	s3 =	sld [smem:$0x3FDB];
	s0 =	simm.s32 @p2 $0x1  }
0x17: {  	s4 =	simm.s32 $0x1BF5;
	[smem:$0x3FB9] =	sst s0  }
0x18: {  	s0 =	sld [smem:$0x3F9C];
	_ =	swait.ge [sflag:s4], $0x0  }
0x19: {  	s7 =	sld [smem:$0x3F9D]  }
0x1a: {  	s8 =	sadd.s32 $0xFFFFE003, lr  }
0x1b: {  	s9 =	sadd.s32 $0xFFFFFEF7, lr;
	s5 =	simm.s32 $0xFFFFFFFF;
	p2 =	slt.u32 s8, $0xFFFFF086  }
0x1c: {  	p1 =	slt.u32 s9, $0xF7A;
	s5 =	simm.s32 @!p2 $0x0  }
0x1d: {  	s5 =	simm.s32 @p1 $0x1;
	p0 =	seq.s32 s7, s2  }
0x1e: {  	s7 =	smul.u32 @!p0 $0xF7A, s2;
	p2 =	seq.s32 @!p0 s5, $0x0  }
0x1f: {  	s9 =	smul.u32 $0xF7A, s1;
	s8 =	simm.s32 @!p0 $0x1BF5;
	p2 =	por !p2, p0  }
0x20: {  	[sflag:s8] =	ssyncset.s32 @!p0 $0xFFFFF086;
	s6 =	sadd.s32 @!p0 s3, s7;
	s7 =	simm.s32 @!p0 $0x108  }
0x21: {  	s3 =	sadd.s32 s3, s9;
	s6 =	sadd.s32 @!p0 $0x88, s6;
	s7 =	simm.s32 @p2 $0x1082  }
0x22: {  	[simem:s7], [sflag:s8] =	dma.local @!p0 [hbm:s6], $0xF7A  }
0x23: {  	s9 =	sor.u32 $0xD0000000, s2;
	s6 =	simm.s32 $0x108;
	_ =	swait.ge @!p0 [sflag:s8], $0x0  }
0x24: {  	s3 =	sadd.s32 $0x88, s3;
	s6 =	simm.s32 @!p1 $0x1082;
	[sflag:s4] =	ssyncset.s32 $0xFFFFF086  }
0x25: {  	[simem:s6], [sflag:s4] =	dma.local [hbm:s3], $0xF7A  }
0x26: {  	[smem:$0x3F9D] =	sst s1;
	(tag) =	ssettag s2;
	_ =	strace s9  }
0x27: {  	s1 =	sld [smem:$0x3FAD]  }
0x28: {  	s2 =	sld [smem:$0x3FAE]  }
0x29: {  	s4 =	sld [smem:$0x3FB0]  }
0x2a: {  	p0 =	seq.s32 s5, $0x0;
	s5 =	sld [smem:$0x3FB1]  }
0x2b: {  	s6 =	sld [smem:$0x3FB2]  }
0x2c: {  	s7 =	sld [smem:$0x3FB3]  }
0x2d: {  	s3 =	simm.s32 $0x108;
	s8 =	sld [smem:$0x3FB4]  }
0x2e: {  	s3 =	simm.s32 @!p0 $0x1082;
	s9 =	sld [smem:$0x3FB5]  }
0x2f: {  	lr =	sadd.s32 s0, s3;
	s0 =	sld [smem:$0x3FAC]  }
0x30: {  	s3 =	sld [smem:$0x3FAF]  }
0x31: {  	[smem:$0x3FB8] =	sst s10  }
0x32: {  	s10 =	sld [smem:$0x3FB6];
	_ =	sdelay $0x3  }
0x33: {  	p0 =	seq.s32 s10, $0x1;
	s10 =	sld [smem:$0x3FB8];
	_ =	sdelay $0x3  }
0x34: {  	[smem:$0x3FB8] =	sst s10  }
0x35: {  	s10 =	sld [smem:$0x3FB7];
	_ =	sdelay $0x3  }
0x36: {  	p1 =	seq.s32 s10, $0x1;
	s10 =	sld [smem:$0x3FB8];
	_ =	sdelay $0x3  }
0x37: {  	[smem:$0x3FB8] =	sst s10  }
0x38: {  	s10 =	sld [smem:$0x3FB9]  }
0x39: {  	_ = 	snop;
	(pc) =	sbr.ind lr, $3  }
0x3a: {  	_ = 	snop  }
0x3b: {  	_ = 	snop  }
0x3c: {  	p2 =	seq.s32 s10, $0x1;
	s10 =	sld [smem:$0x3FB8]  }
0x3d: {  	_ =	shalt  }
0x3e: {  	_ =	shalt  }
0x3f: {  	_ =	shalt  }
0x40: {  	_ =	shalt  }
0x41: {  	_ =	shalt  }
0x42: {  	_ =	shalt  }
0x43: {  	_ =	shalt  }
0x44: {  	_ =	shalt  }
0x45: {  	_ =	shalt  }
0x46: {  	_ =	shalt  }
0x47: {  	_ =	shalt  }
0x48: {  	_ =	shalt  }
0x49: {  	_ =	shalt  }
0x4a: {  	_ =	shalt  }
0x4b: {  	_ =	shalt  }
0x4c: {  	_ =	shalt  }
0x4d: {  	_ =	shalt  }
0x4e: {  	_ =	shalt  }
0x4f: {  	_ =	shalt  }
0x50: {  	_ =	shalt  }
0x51: {  	_ =	shalt  }
0x52: {  	_ =	shalt  }
0x53: {  	_ =	shalt  }
0x54: {  	_ =	shalt  }
0x55: {  	_ =	shalt  }
0x56: {  	_ =	shalt  }
0x57: {  	_ =	shalt  }
0x58: {  	_ =	shalt  }
0x59: {  	_ =	shalt  }
0x5a: {  	_ =	shalt  }
0x5b: {  	_ =	shalt  }
0x5c: {  	_ =	shalt  }
0x5d: {  	_ =	shalt  }
0x5e: {  	_ =	shalt  }
0x5f: {  	_ =	shalt  }
0x60: {  	_ =	shalt  }
0x61: {  	_ =	shalt  }
0x62: {  	_ =	shalt  }
0x63: {  	_ =	shalt  }
0x64: {  	_ =	shalt  }
0x65: {  	_ =	shalt  }
0x66: {  	_ =	shalt  }
0x67: {  	_ =	shalt  }
0x68: {  	_ =	shalt  }
0x69: {  	_ =	shalt  }
0x6a: {  	_ =	shalt  }
0x6b: {  	_ =	shalt  }
0x6c: {  	_ =	shalt  }
0x6d: {  	_ =	shalt  }
0x6e: {  	_ =	shalt  }
0x6f: {  	_ =	shalt  }
0x70: {  	_ =	shalt  }
0x71: {  	_ =	shalt  }
0x72: {  	_ =	shalt  }
0x73: {  	_ =	shalt  }
0x74: {  	_ =	shalt  }
0x75: {  	_ =	shalt  }
0x76: {  	_ =	shalt  }
0x77: {  	_ =	shalt  }
0x78: {  	_ =	shalt  }
0x79: {  	_ =	shalt  }
0x7a: {  	_ =	shalt  }
0x7b: {  	_ =	shalt  }
0x7c: {  	_ =	shalt  }
0x7d: {  	_ =	shalt  }
0x7e: {  	_ =	shalt  }
0x7f: {  	_ =	shalt  }
0x80: {  	_ =	shalt  }
0x81: {  	_ =	shalt  }
0x82: {  	_ =	shalt  }
0x83: {  	_ =	shalt  }
0x84: {  	_ =	shalt  }
0x85: {  	_ =	shalt  }
0x86: {  	_ =	shalt  }
0x87: {  	_ =	shalt  }
.Lfunc_end0:
.L_simem_size_0:
called_computation.1_lowered:
.L_overlay_start_0:
0x88: {  	s2 =	sld [smem:$0x3FD9]  }
0x89: {  	s3 =	sld [smem:$0x3FFE];
	_ =	sdelay $0x1  }
0x8a: {  	s1 =	srdreg.scid  }
0x8b: {  	s0 =	sand.u32 $0x1, s1  }
0x8c: {  	s17 =	sshll.u32 s0, $0xA;
	s2 =	sadd.s32 s3, s2  }
0x8d: {  	s2 =	sadd.s32 s2, s17  }
0x8e: {  	[smem:$0x3FC4] =	sst s2  }
0x8f: {  	_ = 	snop  }
0x90: {  	s2 =	sld [smem:$0x3FC6]  }
0x91: {  	s18 =	sld [smem:$0x3FD0];
	(tm) =	ssettm $0x1  }
0x92: {  	s4 =	sld [smem:$0x3FFB];
	_ =	sdelay $0x3  }
0x93: {  	_ =	strace s4  }
0x94: {  	s4 =	sld [smem:$0x3FFC];
	_ =	sdelay $0x3  }
0x95: {  	_ =	strace s4  }
0x96: {  	s4 =	sld [smem:$0x3FFD];
	_ =	sdelay $0x3  }
0x97: {  	_ =	strace s4  }
0x98: {  	_ =	strace $0x8FFFFFFF  }
0x99: {  	s19 =	sld [smem:$0x3FDB];
	_ =	sdelay $0x1  }
0x9a: {  	s5 =	simm.s32 $_scs_section_size  }
0x9b: {  	s6 =	simm.s32 $_size__tile_overlayer_lowered;
	s7 =	simm.s32 $_tile_overlayer_lowered  }
0x9c: {  	s22 =	simm.s32 $0x1BFF;
	s21 =	sshll.u32 s7, $0x1;
	s4 =	sadd.s32 s5, s19  }
0x9d: {  	s8 =	simm.s32 $0x0;
	s20 =	sshll.u32 s6, $0x1;
	s6 =	sadd.s32 s21, s4  }
0x9e: {  	[timem:s8], [sflag:s22] =	dma.local [hbm:s6], s20  }
0x9f: {  	_ =	swait.ge [sflag:s22], s20  }
0xa0: {  	s5 =	ssub.s32 $0x0, s20;
	[sflag:s22] =	ssyncset.done $0x0  }
0xa1: {  	[sflag:s22] =	ssyncadd.s32 s5;
	_ =	sdelay $0x1  }
0xa2: {  	s23 =	simm.s32 $0x1B8B  }
0xa3: {  	_ =	swait.ge [sflag:s23], $0x1  }
0xa4: {  	[sflag:s23] =	ssyncset.done $0x0  }
0xa5: {  	s25 =	simm.s32 $0x1B8E;
	s24 =	sld [smem:$0x3FFE];
	[sflag:s23] =	ssyncadd.s32 $0xFFFFFFFF  }
0xa6: {  	s26 =	simm.s32 $execute0_lowered;
	[smem:$0x3FD2] =	sst s25  }
0xa7: {  	s6 =	sshll.u32 s26, $0x1;
	_ =	strace $0x80000049;
	[dreg:$0x1] =	wrdreg $0xFFFFFFFF  }
0xa8: {  	s28 =	simm.s32 $_size_execute0_lowered;
	s4 =	sadd.s32 s4, s6;
	[dreg:$0x0] =	wrdreg $0x0  }
0xa9: {  	s6 =	sshll.u32 s28, $0x1;
	[dreg:$0x2] =	wrdreg s4  }
0xaa: {  	[dreg:$0x3] =	wrdreg s6  }
0xab: {  	[dreg:$0x4] =	wrdreg $0xC0  }
0xac: {  	_ =	task [dreg:s8], $0x5FFFF  }
0xad: {  	[dreg:$0x1] =	wrdreg $0xFFFFFFFF  }
0xae: {  	[dreg:$0x0] =	wrdreg $0x60  }
0xaf: {  	[dreg:$0x2] =	wrdreg s24  }
0xb0: {  	[dreg:$0x3] =	wrdreg s2  }
0xb1: {  	[dreg:$0x4] =	wrdreg s18  }
0xb2: {  	[dreg:$0x5] =	wrdreg $0x9  }
0xb3: {  	_ =	task.clear_ibuf [dreg:s8], $0x6FFFF;
	_ =	strace $0x90000049  }
0xb4: {  	s29 =	simm.s32 $0x9;
	_ =	strace $0x8000004B  }
0xb5: {  	_ =	swait.ge [sflag:s29], $0x1  }
0xb6: {  	[sflag:s29] =	ssyncadd.s32 $0xFFFFFFFF  }
0xb7: {  	_ =	strace $0x9000004B  }
0xb8: {  	_ =	sfence  }
0xb9: {  	s30 =	sld [smem:$0x0];
	_ =	sdelay $0x2  }
0xba: {  	s31 =	sshll.u32 s1, $0xD;
	s1 =	sshrl.u32 s1, $0x2  }
0xbb: {  	s3 =	sand.u32 $0x4000, s31;
	s1 =	sadd.s32 s1, s30  }
0xbc: {  	s0 =	sor.u32 s3, s0;
	s1 =	sshll.u32 s1, $0x11  }
0xbd: {  	s0 =	sor.u32 s1, s0  }
0xbe: {  	s0 =	sadd.s32 $0x8F2B, s0  }
0xbf: {  	[sflag:s0] =	ssyncadd.remote.s32 $0x1  }
0xc0: {  	_ =	sfence.sel $0xFFFF  }
0xc1: {  	[dreg:$0x0] =	wrdreg $0xFFFFFFFF;
	(pc) =	sbr.abs _section_cstart, $3  }
0xc2: {  	[dreg:$0x1] =	wrdreg $0xFFFFFFFF  }
0xc3: {  	_ =	task.clear_ibuf [dreg:s8], $0x2FFFF;
	_ =	strace $0x9FFFFFFF  }
0xc4: {  	(tm) =	ssettm $0x7FFFFFFF  }
0xc5: {  	_ =	shalt  }
tec
execute0_lowered:
.L_overlay_start_1:
0x0: {  	(tag) =	ssettag $0x1  }
0x1: {  	s9 =	rddreg [dreg:$0x0]  }
0x2: {  	s4 =	rddreg [dreg:$0x1]  }
0x3: {  	s10 =	rddreg [dreg:$0x2]  }
0x4: {  	s0 =	rddreg [dreg:$0x3]  }
0x5: {  	s2 =	simm.s32 $0x0;
	s5 =	srdreg.scid;
	s1 =	stileid.u32  }
0x6: {  	s8 =	simm.s32 $0x1;
	[smem:$0x7FF] =	sst s2;
	s3 =	sadd.s32 $0x3CE00, s9  }
0x7: {  	s6 =	sadd.s32 $0x64E00, s9;
	s7 =	sand.u32 $0x1, s5;
	s29 =	sshll.u32 s1, $0x3  }
0x8: {  	s9 =	sadd.s32 $0xE00, s9;
	_ =	strace $0x8000004A;
	s11 =	ssub.s32 $0x2, s7  }
0x9: {  	s5 =	sadd.s32 s4, s29;
	s4 =	simm.s32 $0x2;
	p0 =	seq.s32 s7, $0x1  }
0xa: {  	[tilespmem:s2], [sflag:$0x2] =	stream.linear.gather [hbm4b:s5+s2], $0x40, $0x38;
	[tilespmem:$0x2080] =	vst v63  }
0xb: {  	s7 =	simm.s32 $0x80;
	s12 =	sshrl.u32 s11, $0x1;
	_ =	swait.ge [sflag:s4], $0x40  }
0xc: {  	s3 =	smov.u32 @p0 s6;
	s11 =	ssub.s32 s11, s12;
	[sflag:s4] =	ssyncset.done $0x0  }
0xd: {  	s6 =	simm.s32 $0x40;
	s31 =	smax.u32 s11, $0x1;
	[sflag:s4] =	ssyncadd.s32 $0xFFFFFFC0  }
0xe: {  	[tilespmem:s7], [sflag:$0x1] =	stream.indirect.gather [hbm4b:s3+s6], $0x80, s2, s6, $0xb8;
	[tilespmem:$0x2080] =	vst v63  }
0xf: {  	s10 =	smov.u32 @p0 s9;
	p0 =	sne.s32 s31, $0x1;
	_ =	swait.ge [sflag:s8], $0x2000  }
.Ltmp0:
0x10: {  	s30 =	sshll.u32 s1, $0xA;
	[sflag:s8] =	ssyncset.done $0x0;
	(pc) =	sbr.rel @!p0 .LBB2_2-.Ltmp0, $4  }
0x11: {  	s9 =	sadd.s32 s10, s30;
	[sflag:s8] =	ssyncadd.s32 $0xFFFFE000  }
0x12: {  	[hbm4b:s9+s2] =	stream.linear.scatter [tilespmem:s7], [sflag:$0x2], $0x2000, $0x38;
	[tilespmem:$0x2080] =	vst v63  }
0x13: {  	_ =	swait.ge [sflag:s4], $0x2000  }
0x14: {  	s10 =	sadd.s32 $0xFFFFFFFF, s31;
	[sflag:s4] =	ssyncset.done $0x0  }
.LBB2_1:
0x15: {  	p0 =	sne.s32 s10, $0x1;
	s10 =	sadd.s32 $0xFFFFFFFF, s10;
	[sflag:s4] =	ssyncadd.s32 $0xFFFFE000  }
0x16: {  	[tilespmem:s2], [sflag:$0x2] =	stream.linear.gather [hbm4b:s5+s2], $0x40, $0x38;
	[tilespmem:$0x2080] =	vst v63  }
0x17: {  	_ =	swait.ge [sflag:s4], $0x40  }
0x18: {  	[sflag:s4] =	ssyncset.done $0x0  }
0x19: {  	[sflag:s4] =	ssyncadd.s32 $0xFFFFFFC0  }
0x1a: {  	[tilespmem:s7], [sflag:$0x1] =	stream.indirect.gather [hbm4b:s3+s6], $0x80, s2, s6, $0xb8;
	[tilespmem:$0x2080] =	vst v63  }
0x1b: {  	_ =	swait.ge [sflag:s8], $0x2000  }
.Ltmp1:
0x1c: {  	[sflag:s8] =	ssyncset.done $0x0;
	(pc) =	sbr.rel @p0 .LBB2_1-.Ltmp1, $4  }
0x1d: {  	[sflag:s8] =	ssyncadd.s32 $0xFFFFE000  }
0x1e: {  	[hbm4b:s9+s2] =	stream.linear.scatter [tilespmem:s7], [sflag:$0x2], $0x2000, $0x38;
	[tilespmem:$0x2080] =	vst v63  }
0x1f: {  	_ =	swait.ge [sflag:s4], $0x2000  }
0x20: {  	[sflag:s4] =	ssyncset.done $0x0  }
.LBB2_2:
0x21: {  	[sflag:s4] =	ssyncadd.s32 $0xFFFFE000  }
0x22: {  	_ =	sfence.sel $0x180000  }
0x23: {  	[bflag:$0x0] =	sbarrier.arrive $0xFFFF  }
0x24: {  	p0 =	sne.s32 s1, $0x0;
	_ =	strace $0x9000004A  }
0x25: {  	s0 =	sadd.s32 @!p0 $0x100000, s0;
	[bflag:$0x2] =	sbarrier.arrive $0xFFFF  }
0x26: {  	[sflag:s0] =	ssyncadd.tile.s32 @!p0 $0x1;
	_ =	shalt  }
.Lfunc_end2:
_tile_overlayer_lowered:
.L_overlay_start_2:
0x27: {  	(tag) =	ssettag $0x2  }
0x28: {  	s0 =	rddreg [dreg:$0x0];
	s2 =	stileid.u32  }
0x29: {  	s1 =	rddreg [dreg:$0x1];
	p0 =	sne.s32 s2, $0x0  }
0x2a: {  	s3 =	rddreg [dreg:$0x2];
	[bflag:$0x3] =	sbarrier.arrive $0xFFFF;
	s2 =	simm.s32 @!p0 $0x1C02  }
0x2b: {  	[timem:s3], [sflag:s2] =	dma.local @!p0 [hbm:s0], s1  }
0x2c: {  	s0 =	simm.s32 @!p0 $0x2  }
0x2d: {  	_ =	swait.ge @!p0 [sflag:s0], s1  }
0x2e: {  	s1 =	ssub.s32 @!p0 $0x0, s1;
	[sflag:s0] =	ssyncset.done @!p0 $0x0  }
0x2f: {  	[sflag:s0] =	ssyncadd.s32 @!p0 s1  }
0x30: {  	[bflag:$0x3] =	sbarrier.arrive $0xFFFF  }
0x31: {  	_ =	shalt  }

</sc_bundles>
